<compile_context>
chip_gen: v7x
topology: tpu7x:2x2x1
jax: 0.10.2.dev20260603
libtpu: 0.0.44.dev20260713+nightly
codegen_flags: <defaults>
</compile_context>

<pallas_src>
import functools

import jax
import jax.numpy as jnp
from jax import lax
from jax.experimental import pallas as pl
from jax.experimental.pallas import tpu as pltpu
from jax.experimental.pallas import tpu_sc as plsc

_B, _H, _W, _D = 2, 224, 224, 256
_NC, _NS = 2, 16
_NW = _NC * _NS
_HPW = 2 * _H // _NW
_HALF = _W // 2
_NSLOT = 3
_RWIN = 24
_L = 16

_mesh = plsc.VectorSubcoreMesh(
    core_axis_name="c", subcore_axis_name="s", num_cores=_NC, num_subcores=_NS
)


@functools.partial(
    pl.kernel,
    mesh=_mesh,
    out_type=jax.ShapeDtypeStruct((_B, _H * _W, _D), jnp.float32),
    scratch_types=[
        pltpu.VMEM((_HALF, _D), jnp.float32),
        pltpu.VMEM((_RWIN, _D), jnp.float32),
        pltpu.VMEM((_NSLOT, _HALF, _D), jnp.float32),
        pltpu.SemaphoreType.DMA((_NSLOT,)),
    ],
)
def _sc_pos_enc(row_hbm, col_hbm, out_hbm, col_buf, row_buf, obuf, osems):
    wid = lax.axis_index("s") * _NC + lax.axis_index("c")
    g = wid % 2
    h0 = (wid // 2) * _HPW

    base8 = (h0 // 8) * 8
    roff = h0 - base8
    col_load = pltpu.async_copy(
        col_hbm.at[pl.ds(g * _HALF, _HALF)], col_buf, osems.at[0]
    )
    pltpu.sync_copy(row_hbm.at[pl.ds(base8, _RWIN)], row_buf)
    col_load.wait()

    @pl.loop(0, _HPW)
    def _(hl):
        s = hl % _NSLOT
        base = (h0 + hl) * _W + g * _HALF

        @pl.when(hl >= _NSLOT)
        def _():
            pltpu.make_async_copy(
                obuf.at[s], out_hbm.at[0, pl.ds(base, _HALF)], osems.at[s]
            ).wait()
            pltpu.make_async_copy(
                obuf.at[s], out_hbm.at[1, pl.ds(base, _HALF)], osems.at[s]
            ).wait()

        row_vecs = [
            row_buf[roff + hl, pl.ds(j * _L, _L)] for j in range(_D // _L)
        ]

        @plsc.parallel_loop(0, _HALF, unroll=8)
        def _(w):
            for j in range(_D // _L):
                obuf[s, w, pl.ds(j * _L, _L)] = (
                    col_buf[w, pl.ds(j * _L, _L)] + row_vecs[j]
                )

        pltpu.async_copy(
            obuf.at[s], out_hbm.at[0, pl.ds(base, _HALF)], osems.at[s]
        )
        pltpu.async_copy(
            obuf.at[s], out_hbm.at[1, pl.ds(base, _HALF)], osems.at[s]
        )

    for s in range(_NSLOT):
        for b in range(_B):
            pltpu.make_async_copy(
                obuf.at[s],
                out_hbm.at[b, pl.ds(h0 * _W + g * _HALF, _HALF)],
                osems.at[s],
            ).wait()


def kernel(batch_size, height, width, row_embed, col_embed):
    return _sc_pos_enc(row_embed, col_embed)

# --- scband reference (transcript-rebuilt; emitter-appended) ---
"""Pipeline reference for scband-learnable-positional-encoding2-d-21663815041405 (READ-ONLY COPY).

The authoritative reference and input builder live on the scoring server;
editing this copy changes nothing except your own understanding.
"""

import jax, jax.numpy as jnp
import numpy as np

MAX_SIZE = 512
D_MODEL = 256


def setup_inputs(seed: int = 0) -> dict:
    key = jax.random.key(seed)
    k1, k2 = jax.random.split(key)
    row_embed = jax.random.normal(k1, (MAX_SIZE, D_MODEL), dtype=jnp.float32) * 0.02
    col_embed = jax.random.normal(k2, (MAX_SIZE, D_MODEL), dtype=jnp.float32) * 0.02
    return {
        "batch_size": 2,
        "height": 224,
        "width": 224,
        "row_embed": row_embed,
        "col_embed": col_embed,
    }


def reference(batch_size, height, width, row_embed, col_embed):
    B, H, W = 2, 224, 224
    rows = jnp.arange(H) + (height - height)
    cols = jnp.arange(W) + (width - width)
    row_pos = jnp.broadcast_to(rows[:, None], (H, W)) + (batch_size - batch_size)
    col_pos = jnp.broadcast_to(cols[None, :], (H, W))
    row_enc = jnp.take(row_embed, row_pos, axis=0)
    col_enc = jnp.take(col_embed, col_pos, axis=0)
    pos_enc = row_enc + col_enc
    pos_enc = pos_enc.reshape(H * W, -1)
    d = pos_enc.shape[-1]
    return jnp.broadcast_to(pos_enc[None, :, :], (B, H * W, d))

if __name__ == "__main__":
    import jax
    _d = setup_inputs()
    print(jax.jit(kernel)(*tuple(_d.values())))

</pallas_src>

<mosaic_0001>
#map = affine_map<(d0, d1) -> (0, 0)>
#map1 = affine_map<(d0, d1) -> (0, 0, 0)>
module attributes {stable_mosaic.version = 14 : i64} {
  func.func @_sc_pos_enc(%arg0: i32, %arg1: i32, %arg2: memref<512x256xf32, #tpu.memory_space<hbm>>, %arg3: memref<512x256xf32, #tpu.memory_space<hbm>>, %arg4: memref<2x50176x256xf32, #tpu.memory_space<hbm>>, %arg5: memref<112x256xf32, #tpu.memory_space<vmem>>, %arg6: memref<24x256xf32, #tpu.memory_space<vmem>>, %arg7: memref<3x112x256xf32, #tpu.memory_space<vmem>>, %arg8: memref<3x!tpu.dma_semaphore, #tpu.memory_space<semaphore_mem>>) attributes {dimension_semantics = [#tpu.dimension_semantics<core_parallel>, #tpu.dimension_semantics<subcore_parallel>], iteration_bounds = array<i64: 2, 16>, scalar_prefetch = 0 : i64, scratch_operands = 4 : i64, tpu.core_type = #tpu.core_type<sc_vector_subcore>, window_params = [{transform_indices = #map}, {transform_indices = #map}, {transform_indices = #map1}]} {
    %mul3A = arith.constant 2 : i32
    %mul3A_0 = arith.muli %arg1, %mul3A : i32
    %add3A = arith.addi %mul3A_0, %arg0 : i32
    %jit3A = arith.constant 2 : i32
    %eq3A = arith.constant 0 : i32
    %eq3A_1 = arith.cmpi eq, %jit3A, %eq3A : i32
    %jit3A_2 = arith.constant 1 : i32
    %select_n3A = arith.select %eq3A_1, %jit3A_2, %jit3A : i32
    %rem3A = arith.remsi %add3A, %select_n3A : i32
    %ne3A = arith.constant 0 : i32
    %ne3A_3 = arith.cmpi ne, %rem3A, %ne3A : i32
    %lt3A = arith.constant 0 : i32
    %lt3A_4 = arith.cmpi slt, %rem3A, %lt3A : i32
    %lt3A_5 = arith.constant 0 : i32
    %lt3A_6 = arith.cmpi slt, %select_n3A, %lt3A_5 : i32
    %ne3A_7 = arith.xori %lt3A_4, %lt3A_6 : i1
    %and3A = arith.andi %ne3A_7, %ne3A_3 : i1
    %add3A_8 = arith.addi %rem3A, %select_n3A : i32
    %select_n3A_9 = arith.select %and3A, %add3A_8, %rem3A : i32
    %jit3A_10 = arith.constant 2 : i32
    %div3A = arith.divsi %add3A, %jit3A_10 : i32
    %sign3A = arith.constant 0 : i32
    %sign3A_11 = arith.cmpi sgt, %add3A, %sign3A : i32
    %sign3A_12 = arith.extui %sign3A_11 : i1 to i32
    %sign3A_13 = arith.constant 0 : i32
    %sign3A_14 = arith.cmpi slt, %add3A, %sign3A_13 : i32
    %sign3A_15 = arith.extui %sign3A_14 : i1 to i32
    %sign3A_16 = arith.subi %sign3A_12, %sign3A_15 : i32
    %sign3A_17 = arith.constant 0 : i32
    %sign3A_18 = arith.cmpi sgt, %jit3A_10, %sign3A_17 : i32
    %sign3A_19 = arith.extui %sign3A_18 : i1 to i32
    %sign3A_20 = arith.constant 0 : i32
    %sign3A_21 = arith.cmpi slt, %jit3A_10, %sign3A_20 : i32
    %sign3A_22 = arith.extui %sign3A_21 : i1 to i32
    %sign3A_23 = arith.subi %sign3A_19, %sign3A_22 : i32
    %ne3A_24 = arith.cmpi ne, %sign3A_16, %sign3A_23 : i32
    %rem3A_25 = arith.remsi %add3A, %jit3A_10 : i32
    %ne3A_26 = arith.constant 0 : i32
    %ne3A_27 = arith.cmpi ne, %rem3A_25, %ne3A_26 : i32
    %and3A_28 = arith.andi %ne3A_24, %ne3A_27 : i1
    %sub3A = arith.constant 1 : i32
    %sub3A_29 = arith.subi %div3A, %sub3A : i32
    %select_n3A_30 = arith.select %and3A_28, %sub3A_29, %div3A : i32
    %mul3A_31 = arith.constant 14 : i32
    %mul3A_32 = arith.muli %select_n3A_30, %mul3A_31 : i32
    %jit3A_33 = arith.constant 8 : i32
    %div3A_34 = arith.divsi %mul3A_32, %jit3A_33 : i32
    %sign3A_35 = arith.constant 0 : i32
    %sign3A_36 = arith.cmpi sgt, %mul3A_32, %sign3A_35 : i32
    %sign3A_37 = arith.extui %sign3A_36 : i1 to i32
    %sign3A_38 = arith.constant 0 : i32
    %sign3A_39 = arith.cmpi slt, %mul3A_32, %sign3A_38 : i32
    %sign3A_40 = arith.extui %sign3A_39 : i1 to i32
    %sign3A_41 = arith.subi %sign3A_37, %sign3A_40 : i32
    %sign3A_42 = arith.constant 0 : i32
    %sign3A_43 = arith.cmpi sgt, %jit3A_33, %sign3A_42 : i32
    %sign3A_44 = arith.extui %sign3A_43 : i1 to i32
    %sign3A_45 = arith.constant 0 : i32
    %sign3A_46 = arith.cmpi slt, %jit3A_33, %sign3A_45 : i32
    %sign3A_47 = arith.extui %sign3A_46 : i1 to i32
    %sign3A_48 = arith.subi %sign3A_44, %sign3A_47 : i32
    %ne3A_49 = arith.cmpi ne, %sign3A_41, %sign3A_48 : i32
    %rem3A_50 = arith.remsi %mul3A_32, %jit3A_33 : i32
    %ne3A_51 = arith.constant 0 : i32
    %ne3A_52 = arith.cmpi ne, %rem3A_50, %ne3A_51 : i32
    %and3A_53 = arith.andi %ne3A_49, %ne3A_52 : i1
    %sub3A_54 = arith.constant 1 : i32
    %sub3A_55 = arith.subi %div3A_34, %sub3A_54 : i32
    %select_n3A_56 = arith.select %and3A_53, %sub3A_55, %div3A_34 : i32
    %mul3A_57 = arith.constant 8 : i32
    %mul3A_58 = arith.muli %select_n3A_56, %mul3A_57 : i32
    %sub3A_59 = arith.subi %mul3A_32, %mul3A_58 : i32
    %mul3A_60 = arith.constant 112 : i32
    %mul3A_61 = arith.muli %select_n3A_9, %mul3A_60 : i32
    %dma_start3A = arith.constant 0 : i32
    %dma_start3A_62 = arith.constant 0 : i32
    %dma_start3A_63 = tpu.memref_slice %arg3[%mul3A_61, %dma_start3A_62] : memref<512x256xf32, #tpu.memory_space<hbm>> -> memref<112x256xf32, #tpu.memory_space<hbm>>
    %dma_start3A_64 = tpu.memref_slice %arg8[%dma_start3A] : memref<3x!tpu.dma_semaphore, #tpu.memory_space<semaphore_mem>> -> memref<1x!tpu.dma_semaphore, #tpu.memory_space<semaphore_mem>>
    %dma_start3A_65 = tpu.memref_squeeze %dma_start3A_64 : memref<1x!tpu.dma_semaphore, #tpu.memory_space<semaphore_mem>> -> memref<!tpu.dma_semaphore, #tpu.memory_space<semaphore_mem>>
    %dma_start3A_66 = arith.constant 0 : i32
    %dma_start3A_67 = tpu.memref_slice %arg3[%mul3A_61, %dma_start3A_66] : memref<512x256xf32, #tpu.memory_space<hbm>> -> memref<112x256xf32, #tpu.memory_space<hbm>>
    tpu.enqueue_dma source(%dma_start3A_67 : memref<112x256xf32, #tpu.memory_space<hbm>>) target(%arg5 : memref<112x256xf32, #tpu.memory_space<vmem>>) target_semaphore(%dma_start3A_65 : memref<!tpu.dma_semaphore, #tpu.memory_space<semaphore_mem>>)
    "tpu.region"() ({
      %run_scoped3A = tpu.sem_alloc : memref<!tpu.dma_semaphore, #tpu.memory_space<semaphore_mem>>
      %dma_start3A_222 = arith.constant 0 : i32
      %dma_start3A_223 = tpu.memref_slice %arg2[%mul3A_58, %dma_start3A_222] : memref<512x256xf32, #tpu.memory_space<hbm>> -> memref<24x256xf32, #tpu.memory_space<hbm>>
      %dma_start3A_224 = arith.constant 0 : i32
      %dma_start3A_225 = tpu.memref_slice %arg2[%mul3A_58, %dma_start3A_224] : memref<512x256xf32, #tpu.memory_space<hbm>> -> memref<24x256xf32, #tpu.memory_space<hbm>>
      tpu.enqueue_dma source(%dma_start3A_225 : memref<24x256xf32, #tpu.memory_space<hbm>>) target(%arg6 : memref<24x256xf32, #tpu.memory_space<vmem>>) target_semaphore(%run_scoped3A : memref<!tpu.dma_semaphore, #tpu.memory_space<semaphore_mem>>)
      %dma_wait3A_226 = arith.constant 0 : i32
      %dma_wait3A_227 = tpu.memref_slice %arg2[%mul3A_58, %dma_wait3A_226] : memref<512x256xf32, #tpu.memory_space<hbm>> -> memref<24x256xf32, #tpu.memory_space<hbm>>
      %dma_wait3A_228 = arith.constant 0 : i32
      %dma_wait3A_229 = tpu.memref_slice %arg2[%mul3A_58, %dma_wait3A_228] : memref<512x256xf32, #tpu.memory_space<hbm>> -> memref<24x256xf32, #tpu.memory_space<hbm>>
      tpu.wait_dma2 semaphore(%run_scoped3A : memref<!tpu.dma_semaphore, #tpu.memory_space<semaphore_mem>>) src(%dma_wait3A_229 : memref<24x256xf32, #tpu.memory_space<hbm>>) dst(%arg6 : memref<24x256xf32, #tpu.memory_space<vmem>>)
      tpu.yield
    }) : () -> ()
    %dma_wait3A = arith.constant 0 : i32
    %dma_wait3A_68 = arith.constant 0 : i32
    %dma_wait3A_69 = tpu.memref_slice %arg3[%mul3A_61, %dma_wait3A_68] : memref<512x256xf32, #tpu.memory_space<hbm>> -> memref<112x256xf32, #tpu.memory_space<hbm>>
    %dma_wait3A_70 = tpu.memref_slice %arg8[%dma_wait3A] : memref<3x!tpu.dma_semaphore, #tpu.memory_space<semaphore_mem>> -> memref<1x!tpu.dma_semaphore, #tpu.memory_space<semaphore_mem>>
    %dma_wait3A_71 = tpu.memref_squeeze %dma_wait3A_70 : memref<1x!tpu.dma_semaphore, #tpu.memory_space<semaphore_mem>> -> memref<!tpu.dma_semaphore, #tpu.memory_space<semaphore_mem>>
    %dma_wait3A_72 = arith.constant 0 : i32
    %dma_wait3A_73 = tpu.memref_slice %arg3[%mul3A_61, %dma_wait3A_72] : memref<512x256xf32, #tpu.memory_space<hbm>> -> memref<112x256xf32, #tpu.memory_space<hbm>>
    tpu.wait_dma2 semaphore(%dma_wait3A_71 : memref<!tpu.dma_semaphore, #tpu.memory_space<semaphore_mem>>) src(%dma_wait3A_73 : memref<112x256xf32, #tpu.memory_space<hbm>>) dst(%arg5 : memref<112x256xf32, #tpu.memory_space<vmem>>)
    %scan3A = arith.constant 0 : i32
    %scan3A_74 = arith.constant 14 : i32
    %scan3A_75 = arith.addi %scan3A, %scan3A_74 : i32
    %scan3A_76 = arith.constant 1 : i32
    scf.for %scan3A_222 = %scan3A to %scan3A_75 step %scan3A_76  : i32 {
      %mul3A_223 = arith.constant 1 : i32
      %mul3A_224 = arith.muli %scan3A_222, %mul3A_223 : i32
      %add3A_225 = arith.constant 0 : i32
      %add3A_226 = arith.addi %add3A_225, %mul3A_224 : i32
      %jit3A_227 = arith.constant 3 : i32
      %eq3A_228 = arith.constant 0 : i32
      %eq3A_229 = arith.cmpi eq, %jit3A_227, %eq3A_228 : i32
      %jit3A_230 = arith.constant 1 : i32
      %select_n3A_231 = arith.select %eq3A_229, %jit3A_230, %jit3A_227 : i32
      %rem3A_232 = arith.remsi %add3A_226, %select_n3A_231 : i32
      %ne3A_233 = arith.constant 0 : i32
      %ne3A_234 = arith.cmpi ne, %rem3A_232, %ne3A_233 : i32
      %lt3A_235 = arith.constant 0 : i32
      %lt3A_236 = arith.cmpi slt, %rem3A_232, %lt3A_235 : i32
      %lt3A_237 = arith.constant 0 : i32
      %lt3A_238 = arith.cmpi slt, %select_n3A_231, %lt3A_237 : i32
      %ne3A_239 = arith.xori %lt3A_236, %lt3A_238 : i1
      %and3A_240 = arith.andi %ne3A_239, %ne3A_234 : i1
      %add3A_241 = arith.addi %rem3A_232, %select_n3A_231 : i32
      %select_n3A_242 = arith.select %and3A_240, %add3A_241, %rem3A_232 : i32
      %add3A_243 = arith.addi %mul3A_32, %add3A_226 : i32
      %mul3A_244 = arith.constant 224 : i32
      %mul3A_245 = arith.muli %add3A_243, %mul3A_244 : i32
      %mul3A_246 = arith.constant 112 : i32
      %mul3A_247 = arith.muli %select_n3A_9, %mul3A_246 : i32
      %add3A_248 = arith.addi %mul3A_245, %mul3A_247 : i32
      %ge3A = arith.constant 3 : i32
      %ge3A_249 = arith.cmpi sge, %add3A_226, %ge3A : i32
      %convert_element_type3A = arith.extui %ge3A_249 : i1 to i32
      %cond3A = arith.constant 0 : i32
      %cond3A_250 = arith.cmpi ne, %convert_element_type3A, %cond3A : i32
      scf.if %cond3A_250 {
        %dma_wait3A_366 = arith.constant 0 : i32
        %dma_wait3A_367 = arith.constant 0 : i32
        %dma_wait3A_368 = arith.constant 0 : i32
        %dma_wait3A_369 = tpu.memref_slice %arg7[%select_n3A_242, %dma_wait3A_367, %dma_wait3A_368] : memref<3x112x256xf32, #tpu.memory_space<vmem>> -> memref<1x112x256xf32, #tpu.memory_space<vmem>>
        %dma_wait3A_370 = tpu.memref_squeeze %dma_wait3A_369 : memref<1x112x256xf32, #tpu.memory_space<vmem>> -> memref<112x256xf32, #tpu.memory_space<vmem>>
        %dma_wait3A_371 = arith.constant 0 : i32
        %dma_wait3A_372 = tpu.memref_slice %arg4[%dma_wait3A_366, %add3A_248, %dma_wait3A_371] : memref<2x50176x256xf32, #tpu.memory_space<hbm>> -> memref<1x112x256xf32, #tpu.memory_space<hbm>>
        %dma_wait3A_373 = tpu.memref_squeeze %dma_wait3A_372 : memref<1x112x256xf32, #tpu.memory_space<hbm>> -> memref<112x256xf32, #tpu.memory_space<hbm>>
        %dma_wait3A_374 = tpu.memref_slice %arg8[%select_n3A_242] : memref<3x!tpu.dma_semaphore, #tpu.memory_space<semaphore_mem>> -> memref<1x!tpu.dma_semaphore, #tpu.memory_space<semaphore_mem>>
        %dma_wait3A_375 = tpu.memref_squeeze %dma_wait3A_374 : memref<1x!tpu.dma_semaphore, #tpu.memory_space<semaphore_mem>> -> memref<!tpu.dma_semaphore, #tpu.memory_space<semaphore_mem>>
        %dma_wait3A_376 = arith.constant 0 : i32
        %dma_wait3A_377 = tpu.memref_slice %arg4[%dma_wait3A_366, %add3A_248, %dma_wait3A_376] : memref<2x50176x256xf32, #tpu.memory_space<hbm>> -> memref<1x112x256xf32, #tpu.memory_space<hbm>>
        %dma_wait3A_378 = tpu.memref_squeeze %dma_wait3A_377 : memref<1x112x256xf32, #tpu.memory_space<hbm>> -> memref<112x256xf32, #tpu.memory_space<hbm>>
        %dma_wait3A_379 = arith.constant 0 : i32
        %dma_wait3A_380 = arith.constant 0 : i32
        %dma_wait3A_381 = tpu.memref_slice %arg7[%select_n3A_242, %dma_wait3A_379, %dma_wait3A_380] : memref<3x112x256xf32, #tpu.memory_space<vmem>> -> memref<1x112x256xf32, #tpu.memory_space<vmem>>
        %dma_wait3A_382 = tpu.memref_squeeze %dma_wait3A_381 : memref<1x112x256xf32, #tpu.memory_space<vmem>> -> memref<112x256xf32, #tpu.memory_space<vmem>>
        tpu.wait_dma2 semaphore(%dma_wait3A_375 : memref<!tpu.dma_semaphore, #tpu.memory_space<semaphore_mem>>) src(%dma_wait3A_382 : memref<112x256xf32, #tpu.memory_space<vmem>>) dst(%dma_wait3A_378 : memref<112x256xf32, #tpu.memory_space<hbm>>)
        %dma_wait3A_383 = arith.constant 1 : i32
        %dma_wait3A_384 = arith.constant 0 : i32
        %dma_wait3A_385 = arith.constant 0 : i32
        %dma_wait3A_386 = tpu.memref_slice %arg7[%select_n3A_242, %dma_wait3A_384, %dma_wait3A_385] : memref<3x112x256xf32, #tpu.memory_space<vmem>> -> memref<1x112x256xf32, #tpu.memory_space<vmem>>
        %dma_wait3A_387 = tpu.memref_squeeze %dma_wait3A_386 : memref<1x112x256xf32, #tpu.memory_space<vmem>> -> memref<112x256xf32, #tpu.memory_space<vmem>>
        %dma_wait3A_388 = arith.constant 0 : i32
        %dma_wait3A_389 = tpu.memref_slice %arg4[%dma_wait3A_383, %add3A_248, %dma_wait3A_388] : memref<2x50176x256xf32, #tpu.memory_space<hbm>> -> memref<1x112x256xf32, #tpu.memory_space<hbm>>
        %dma_wait3A_390 = tpu.memref_squeeze %dma_wait3A_389 : memref<1x112x256xf32, #tpu.memory_space<hbm>> -> memref<112x256xf32, #tpu.memory_space<hbm>>
        %dma_wait3A_391 = tpu.memref_slice %arg8[%select_n3A_242] : memref<3x!tpu.dma_semaphore, #tpu.memory_space<semaphore_mem>> -> memref<1x!tpu.dma_semaphore, #tpu.memory_space<semaphore_mem>>
        %dma_wait3A_392 = tpu.memref_squeeze %dma_wait3A_391 : memref<1x!tpu.dma_semaphore, #tpu.memory_space<semaphore_mem>> -> memref<!tpu.dma_semaphore, #tpu.memory_space<semaphore_mem>>
        %dma_wait3A_393 = arith.constant 0 : i32
        %dma_wait3A_394 = tpu.memref_slice %arg4[%dma_wait3A_383, %add3A_248, %dma_wait3A_393] : memref<2x50176x256xf32, #tpu.memory_space<hbm>> -> memref<1x112x256xf32, #tpu.memory_space<hbm>>
        %dma_wait3A_395 = tpu.memref_squeeze %dma_wait3A_394 : memref<1x112x256xf32, #tpu.memory_space<hbm>> -> memref<112x256xf32, #tpu.memory_space<hbm>>
        %dma_wait3A_396 = arith.constant 0 : i32
        %dma_wait3A_397 = arith.constant 0 : i32
        %dma_wait3A_398 = tpu.memref_slice %arg7[%select_n3A_242, %dma_wait3A_396, %dma_wait3A_397] : memref<3x112x256xf32, #tpu.memory_space<vmem>> -> memref<1x112x256xf32, #tpu.memory_space<vmem>>
        %dma_wait3A_399 = tpu.memref_squeeze %dma_wait3A_398 : memref<1x112x256xf32, #tpu.memory_space<vmem>> -> memref<112x256xf32, #tpu.memory_space<vmem>>
        tpu.wait_dma2 semaphore(%dma_wait3A_392 : memref<!tpu.dma_semaphore, #tpu.memory_space<semaphore_mem>>) src(%dma_wait3A_399 : memref<112x256xf32, #tpu.memory_space<vmem>>) dst(%dma_wait3A_395 : memref<112x256xf32, #tpu.memory_space<hbm>>)
      } else {
      }
      %add3A_251 = arith.addi %sub3A_59, %add3A_226 : i32
      %get3A = arith.index_cast %add3A_251 : i32 to index
      %get3A_252 = arith.constant 0 : index
      %get3A_253 = tpu.vector_load %arg6[%get3A, %get3A_252] {strides = array<i32>} : memref<24x256xf32, #tpu.memory_space<vmem>>, vector<1x16xf32>,
      %get3A_254 = vector.shape_cast %get3A_253 : vector<1x16xf32> to vector<16xf32>
      %add3A_255 = arith.addi %sub3A_59, %add3A_226 : i32
      %get3A_256 = arith.index_cast %add3A_255 : i32 to index
      %get3A_257 = arith.constant 16 : index
      %get3A_258 = tpu.vector_load %arg6[%get3A_256, %get3A_257] {strides = array<i32>} : memref<24x256xf32, #tpu.memory_space<vmem>>, vector<1x16xf32>,
      %get3A_259 = vector.shape_cast %get3A_258 : vector<1x16xf32> to vector<16xf32>
      %add3A_260 = arith.addi %sub3A_59, %add3A_226 : i32
      %get3A_261 = arith.index_cast %add3A_260 : i32 to index
      %get3A_262 = arith.constant 32 : index
      %get3A_263 = tpu.vector_load %arg6[%get3A_261, %get3A_262] {strides = array<i32>} : memref<24x256xf32, #tpu.memory_space<vmem>>, vector<1x16xf32>,
      %get3A_264 = vector.shape_cast %get3A_263 : vector<1x16xf32> to vector<16xf32>
      %add3A_265 = arith.addi %sub3A_59, %add3A_226 : i32
      %get3A_266 = arith.index_cast %add3A_265 : i32 to index
      %get3A_267 = arith.constant 48 : index
      %get3A_268 = tpu.vector_load %arg6[%get3A_266, %get3A_267] {strides = array<i32>} : memref<24x256xf32, #tpu.memory_space<vmem>>, vector<1x16xf32>,
      %get3A_269 = vector.shape_cast %get3A_268 : vector<1x16xf32> to vector<16xf32>
      %add3A_270 = arith.addi %sub3A_59, %add3A_226 : i32
      %get3A_271 = arith.index_cast %add3A_270 : i32 to index
      %get3A_272 = arith.constant 64 : index
      %get3A_273 = tpu.vector_load %arg6[%get3A_271, %get3A_272] {strides = array<i32>} : memref<24x256xf32, #tpu.memory_space<vmem>>, vector<1x16xf32>,
      %get3A_274 = vector.shape_cast %get3A_273 : vector<1x16xf32> to vector<16xf32>
      %add3A_275 = arith.addi %sub3A_59, %add3A_226 : i32
      %get3A_276 = arith.index_cast %add3A_275 : i32 to index
      %get3A_277 = arith.constant 80 : index
      %get3A_278 = tpu.vector_load %arg6[%get3A_276, %get3A_277] {strides = array<i32>} : memref<24x256xf32, #tpu.memory_space<vmem>>, vector<1x16xf32>,
      %get3A_279 = vector.shape_cast %get3A_278 : vector<1x16xf32> to vector<16xf32>
      %add3A_280 = arith.addi %sub3A_59, %add3A_226 : i32
      %get3A_281 = arith.index_cast %add3A_280 : i32 to index
      %get3A_282 = arith.constant 96 : index
      %get3A_283 = tpu.vector_load %arg6[%get3A_281, %get3A_282] {strides = array<i32>} : memref<24x256xf32, #tpu.memory_space<vmem>>, vector<1x16xf32>,
      %get3A_284 = vector.shape_cast %get3A_283 : vector<1x16xf32> to vector<16xf32>
      %add3A_285 = arith.addi %sub3A_59, %add3A_226 : i32
      %get3A_286 = arith.index_cast %add3A_285 : i32 to index
      %get3A_287 = arith.constant 112 : index
      %get3A_288 = tpu.vector_load %arg6[%get3A_286, %get3A_287] {strides = array<i32>} : memref<24x256xf32, #tpu.memory_space<vmem>>, vector<1x16xf32>,
      %get3A_289 = vector.shape_cast %get3A_288 : vector<1x16xf32> to vector<16xf32>
      %add3A_290 = arith.addi %sub3A_59, %add3A_226 : i32
      %get3A_291 = arith.index_cast %add3A_290 : i32 to index
      %get3A_292 = arith.constant 128 : index
      %get3A_293 = tpu.vector_load %arg6[%get3A_291, %get3A_292] {strides = array<i32>} : memref<24x256xf32, #tpu.memory_space<vmem>>, vector<1x16xf32>,
      %get3A_294 = vector.shape_cast %get3A_293 : vector<1x16xf32> to vector<16xf32>
      %add3A_295 = arith.addi %sub3A_59, %add3A_226 : i32
      %get3A_296 = arith.index_cast %add3A_295 : i32 to index
      %get3A_297 = arith.constant 144 : index
      %get3A_298 = tpu.vector_load %arg6[%get3A_296, %get3A_297] {strides = array<i32>} : memref<24x256xf32, #tpu.memory_space<vmem>>, vector<1x16xf32>,
      %get3A_299 = vector.shape_cast %get3A_298 : vector<1x16xf32> to vector<16xf32>
      %add3A_300 = arith.addi %sub3A_59, %add3A_226 : i32
      %get3A_301 = arith.index_cast %add3A_300 : i32 to index
      %get3A_302 = arith.constant 160 : index
      %get3A_303 = tpu.vector_load %arg6[%get3A_301, %get3A_302] {strides = array<i32>} : memref<24x256xf32, #tpu.memory_space<vmem>>, vector<1x16xf32>,
      %get3A_304 = vector.shape_cast %get3A_303 : vector<1x16xf32> to vector<16xf32>
      %add3A_305 = arith.addi %sub3A_59, %add3A_226 : i32
      %get3A_306 = arith.index_cast %add3A_305 : i32 to index
      %get3A_307 = arith.constant 176 : index
      %get3A_308 = tpu.vector_load %arg6[%get3A_306, %get3A_307] {strides = array<i32>} : memref<24x256xf32, #tpu.memory_space<vmem>>, vector<1x16xf32>,
      %get3A_309 = vector.shape_cast %get3A_308 : vector<1x16xf32> to vector<16xf32>
      %add3A_310 = arith.addi %sub3A_59, %add3A_226 : i32
      %get3A_311 = arith.index_cast %add3A_310 : i32 to index
      %get3A_312 = arith.constant 192 : index
      %get3A_313 = tpu.vector_load %arg6[%get3A_311, %get3A_312] {strides = array<i32>} : memref<24x256xf32, #tpu.memory_space<vmem>>, vector<1x16xf32>,
      %get3A_314 = vector.shape_cast %get3A_313 : vector<1x16xf32> to vector<16xf32>
      %add3A_315 = arith.addi %sub3A_59, %add3A_226 : i32
      %get3A_316 = arith.index_cast %add3A_315 : i32 to index
      %get3A_317 = arith.constant 208 : index
      %get3A_318 = tpu.vector_load %arg6[%get3A_316, %get3A_317] {strides = array<i32>} : memref<24x256xf32, #tpu.memory_space<vmem>>, vector<1x16xf32>,
      %get3A_319 = vector.shape_cast %get3A_318 : vector<1x16xf32> to vector<16xf32>
      %add3A_320 = arith.addi %sub3A_59, %add3A_226 : i32
      %get3A_321 = arith.index_cast %add3A_320 : i32 to index
      %get3A_322 = arith.constant 224 : index
      %get3A_323 = tpu.vector_load %arg6[%get3A_321, %get3A_322] {strides = array<i32>} : memref<24x256xf32, #tpu.memory_space<vmem>>, vector<1x16xf32>,
      %get3A_324 = vector.shape_cast %get3A_323 : vector<1x16xf32> to vector<16xf32>
      %add3A_325 = arith.addi %sub3A_59, %add3A_226 : i32
      %get3A_326 = arith.index_cast %add3A_325 : i32 to index
      %get3A_327 = arith.constant 240 : index
      %get3A_328 = tpu.vector_load %arg6[%get3A_326, %get3A_327] {strides = array<i32>} : memref<24x256xf32, #tpu.memory_space<vmem>>, vector<1x16xf32>,
      %get3A_329 = vector.shape_cast %get3A_328 : vector<1x16xf32> to vector<16xf32>
      %parallel_loop3A = arith.constant 0 : i32
      %parallel_loop3A_330 = arith.constant 112 : i32
      %parallel_loop3A_331 = arith.constant 1 : i32
      scf.for %parallel_loop3A_366 = %parallel_loop3A to %parallel_loop3A_330 step %parallel_loop3A_331  : i32 {
        %parallel_loop3A_367 = arith.index_cast %parallel_loop3A_366 : i32 to index
        %parallel_loop3A_368 = arith.constant 0 : index
        %parallel_loop3A_369 = tpu.vector_load %arg5[%parallel_loop3A_367, %parallel_loop3A_368] {strides = array<i32>} : memref<112x256xf32, #tpu.memory_space<vmem>>, vector<1x16xf32>,
        %parallel_loop3A_370 = vector.shape_cast %parallel_loop3A_369 : vector<1x16xf32> to vector<16xf32>
        %parallel_loop3A_371 = arith.addf %parallel_loop3A_370, %get3A_254 : vector<16xf32>
        %parallel_loop3A_372 = arith.index_cast %select_n3A_242 : i32 to index
        %parallel_loop3A_373 = arith.index_cast %parallel_loop3A_366 : i32 to index
        %parallel_loop3A_374 = arith.constant 0 : index
        %parallel_loop3A_375 = tpu.vector_load %arg7[%parallel_loop3A_372, %parallel_loop3A_373, %parallel_loop3A_374] {strides = array<i32>} : memref<3x112x256xf32, #tpu.memory_space<vmem>>, vector<1x1x16xf32>,
        %parallel_loop3A_376 = vector.shape_cast %parallel_loop3A_375 : vector<1x1x16xf32> to vector<16xf32>
        %parallel_loop3A_377 = vector.shape_cast %parallel_loop3A_371 : vector<16xf32> to vector<1x1x16xf32>
        tpu.vector_store %arg7[%parallel_loop3A_372, %parallel_loop3A_373, %parallel_loop3A_374], %parallel_loop3A_377 {strides = array<i32>} : memref<3x112x256xf32, #tpu.memory_space<vmem>>, vector<1x1x16xf32>,
        %parallel_loop3A_378 = arith.index_cast %parallel_loop3A_366 : i32 to index
        %parallel_loop3A_379 = arith.constant 16 : index
        %parallel_loop3A_380 = tpu.vector_load %arg5[%parallel_loop3A_378, %parallel_loop3A_379] {strides = array<i32>} : memref<112x256xf32, #tpu.memory_space<vmem>>, vector<1x16xf32>,
        %parallel_loop3A_381 = vector.shape_cast %parallel_loop3A_380 : vector<1x16xf32> to vector<16xf32>
        %parallel_loop3A_382 = arith.addf %parallel_loop3A_381, %get3A_259 : vector<16xf32>
        %parallel_loop3A_383 = arith.index_cast %select_n3A_242 : i32 to index
        %parallel_loop3A_384 = arith.index_cast %parallel_loop3A_366 : i32 to index
        %parallel_loop3A_385 = arith.constant 16 : index
        %parallel_loop3A_386 = tpu.vector_load %arg7[%parallel_loop3A_383, %parallel_loop3A_384, %parallel_loop3A_385] {strides = array<i32>} : memref<3x112x256xf32, #tpu.memory_space<vmem>>, vector<1x1x16xf32>,
        %parallel_loop3A_387 = vector.shape_cast %parallel_loop3A_386 : vector<1x1x16xf32> to vector<16xf32>
        %parallel_loop3A_388 = vector.shape_cast %parallel_loop3A_382 : vector<16xf32> to vector<1x1x16xf32>
        tpu.vector_store %arg7[%parallel_loop3A_383, %parallel_loop3A_384, %parallel_loop3A_385], %parallel_loop3A_388 {strides = array<i32>} : memref<3x112x256xf32, #tpu.memory_space<vmem>>, vector<1x1x16xf32>,
        %parallel_loop3A_389 = arith.index_cast %parallel_loop3A_366 : i32 to index
        %parallel_loop3A_390 = arith.constant 32 : index
        %parallel_loop3A_391 = tpu.vector_load %arg5[%parallel_loop3A_389, %parallel_loop3A_390] {strides = array<i32>} : memref<112x256xf32, #tpu.memory_space<vmem>>, vector<1x16xf32>,
        %parallel_loop3A_392 = vector.shape_cast %parallel_loop3A_391 : vector<1x16xf32> to vector<16xf32>
        %parallel_loop3A_393 = arith.addf %parallel_loop3A_392, %get3A_264 : vector<16xf32>
        %parallel_loop3A_394 = arith.index_cast %select_n3A_242 : i32 to index
        %parallel_loop3A_395 = arith.index_cast %parallel_loop3A_366 : i32 to index
        %parallel_loop3A_396 = arith.constant 32 : index
        %parallel_loop3A_397 = tpu.vector_load %arg7[%parallel_loop3A_394, %parallel_loop3A_395, %parallel_loop3A_396] {strides = array<i32>} : memref<3x112x256xf32, #tpu.memory_space<vmem>>, vector<1x1x16xf32>,
        %parallel_loop3A_398 = vector.shape_cast %parallel_loop3A_397 : vector<1x1x16xf32> to vector<16xf32>
        %parallel_loop3A_399 = vector.shape_cast %parallel_loop3A_393 : vector<16xf32> to vector<1x1x16xf32>
        tpu.vector_store %arg7[%parallel_loop3A_394, %parallel_loop3A_395, %parallel_loop3A_396], %parallel_loop3A_399 {strides = array<i32>} : memref<3x112x256xf32, #tpu.memory_space<vmem>>, vector<1x1x16xf32>,
        %parallel_loop3A_400 = arith.index_cast %parallel_loop3A_366 : i32 to index
        %parallel_loop3A_401 = arith.constant 48 : index
        %parallel_loop3A_402 = tpu.vector_load %arg5[%parallel_loop3A_400, %parallel_loop3A_401] {strides = array<i32>} : memref<112x256xf32, #tpu.memory_space<vmem>>, vector<1x16xf32>,
        %parallel_loop3A_403 = vector.shape_cast %parallel_loop3A_402 : vector<1x16xf32> to vector<16xf32>
        %parallel_loop3A_404 = arith.addf %parallel_loop3A_403, %get3A_269 : vector<16xf32>
        %parallel_loop3A_405 = arith.index_cast %select_n3A_242 : i32 to index
        %parallel_loop3A_406 = arith.index_cast %parallel_loop3A_366 : i32 to index
        %parallel_loop3A_407 = arith.constant 48 : index
        %parallel_loop3A_408 = tpu.vector_load %arg7[%parallel_loop3A_405, %parallel_loop3A_406, %parallel_loop3A_407] {strides = array<i32>} : memref<3x112x256xf32, #tpu.memory_space<vmem>>, vector<1x1x16xf32>,
        %parallel_loop3A_409 = vector.shape_cast %parallel_loop3A_408 : vector<1x1x16xf32> to vector<16xf32>
        %parallel_loop3A_410 = vector.shape_cast %parallel_loop3A_404 : vector<16xf32> to vector<1x1x16xf32>
        tpu.vector_store %arg7[%parallel_loop3A_405, %parallel_loop3A_406, %parallel_loop3A_407], %parallel_loop3A_410 {strides = array<i32>} : memref<3x112x256xf32, #tpu.memory_space<vmem>>, vector<1x1x16xf32>,
        %parallel_loop3A_411 = arith.index_cast %parallel_loop3A_366 : i32 to index
        %parallel_loop3A_412 = arith.constant 64 : index
        %parallel_loop3A_413 = tpu.vector_load %arg5[%parallel_loop3A_411, %parallel_loop3A_412] {strides = array<i32>} : memref<112x256xf32, #tpu.memory_space<vmem>>, vector<1x16xf32>,
        %parallel_loop3A_414 = vector.shape_cast %parallel_loop3A_413 : vector<1x16xf32> to vector<16xf32>
        %parallel_loop3A_415 = arith.addf %parallel_loop3A_414, %get3A_274 : vector<16xf32>
        %parallel_loop3A_416 = arith.index_cast %select_n3A_242 : i32 to index
        %parallel_loop3A_417 = arith.index_cast %parallel_loop3A_366 : i32 to index
        %parallel_loop3A_418 = arith.constant 64 : index
        %parallel_loop3A_419 = tpu.vector_load %arg7[%parallel_loop3A_416, %parallel_loop3A_417, %parallel_loop3A_418] {strides = array<i32>} : memref<3x112x256xf32, #tpu.memory_space<vmem>>, vector<1x1x16xf32>,
        %parallel_loop3A_420 = vector.shape_cast %parallel_loop3A_419 : vector<1x1x16xf32> to vector<16xf32>
        %parallel_loop3A_421 = vector.shape_cast %parallel_loop3A_415 : vector<16xf32> to vector<1x1x16xf32>
        tpu.vector_store %arg7[%parallel_loop3A_416, %parallel_loop3A_417, %parallel_loop3A_418], %parallel_loop3A_421 {strides = array<i32>} : memref<3x112x256xf32, #tpu.memory_space<vmem>>, vector<1x1x16xf32>,
        %parallel_loop3A_422 = arith.index_cast %parallel_loop3A_366 : i32 to index
        %parallel_loop3A_423 = arith.constant 80 : index
        %parallel_loop3A_424 = tpu.vector_load %arg5[%parallel_loop3A_422, %parallel_loop3A_423] {strides = array<i32>} : memref<112x256xf32, #tpu.memory_space<vmem>>, vector<1x16xf32>,
        %parallel_loop3A_425 = vector.shape_cast %parallel_loop3A_424 : vector<1x16xf32> to vector<16xf32>
        %parallel_loop3A_426 = arith.addf %parallel_loop3A_425, %get3A_279 : vector<16xf32>
        %parallel_loop3A_427 = arith.index_cast %select_n3A_242 : i32 to index
        %parallel_loop3A_428 = arith.index_cast %parallel_loop3A_366 : i32 to index
        %parallel_loop3A_429 = arith.constant 80 : index
        %parallel_loop3A_430 = tpu.vector_load %arg7[%parallel_loop3A_427, %parallel_loop3A_428, %parallel_loop3A_429] {strides = array<i32>} : memref<3x112x256xf32, #tpu.memory_space<vmem>>, vector<1x1x16xf32>,
        %parallel_loop3A_431 = vector.shape_cast %parallel_loop3A_430 : vector<1x1x16xf32> to vector<16xf32>
        %parallel_loop3A_432 = vector.shape_cast %parallel_loop3A_426 : vector<16xf32> to vector<1x1x16xf32>
        tpu.vector_store %arg7[%parallel_loop3A_427, %parallel_loop3A_428, %parallel_loop3A_429], %parallel_loop3A_432 {strides = array<i32>} : memref<3x112x256xf32, #tpu.memory_space<vmem>>, vector<1x1x16xf32>,
        %parallel_loop3A_433 = arith.index_cast %parallel_loop3A_366 : i32 to index
        %parallel_loop3A_434 = arith.constant 96 : index
        %parallel_loop3A_435 = tpu.vector_load %arg5[%parallel_loop3A_433, %parallel_loop3A_434] {strides = array<i32>} : memref<112x256xf32, #tpu.memory_space<vmem>>, vector<1x16xf32>,
        %parallel_loop3A_436 = vector.shape_cast %parallel_loop3A_435 : vector<1x16xf32> to vector<16xf32>
        %parallel_loop3A_437 = arith.addf %parallel_loop3A_436, %get3A_284 : vector<16xf32>
        %parallel_loop3A_438 = arith.index_cast %select_n3A_242 : i32 to index
        %parallel_loop3A_439 = arith.index_cast %parallel_loop3A_366 : i32 to index
        %parallel_loop3A_440 = arith.constant 96 : index
        %parallel_loop3A_441 = tpu.vector_load %arg7[%parallel_loop3A_438, %parallel_loop3A_439, %parallel_loop3A_440] {strides = array<i32>} : memref<3x112x256xf32, #tpu.memory_space<vmem>>, vector<1x1x16xf32>,
        %parallel_loop3A_442 = vector.shape_cast %parallel_loop3A_441 : vector<1x1x16xf32> to vector<16xf32>
        %parallel_loop3A_443 = vector.shape_cast %parallel_loop3A_437 : vector<16xf32> to vector<1x1x16xf32>
        tpu.vector_store %arg7[%parallel_loop3A_438, %parallel_loop3A_439, %parallel_loop3A_440], %parallel_loop3A_443 {strides = array<i32>} : memref<3x112x256xf32, #tpu.memory_space<vmem>>, vector<1x1x16xf32>,
        %parallel_loop3A_444 = arith.index_cast %parallel_loop3A_366 : i32 to index
        %parallel_loop3A_445 = arith.constant 112 : index
        %parallel_loop3A_446 = tpu.vector_load %arg5[%parallel_loop3A_444, %parallel_loop3A_445] {strides = array<i32>} : memref<112x256xf32, #tpu.memory_space<vmem>>, vector<1x16xf32>,
        %parallel_loop3A_447 = vector.shape_cast %parallel_loop3A_446 : vector<1x16xf32> to vector<16xf32>
        %parallel_loop3A_448 = arith.addf %parallel_loop3A_447, %get3A_289 : vector<16xf32>
        %parallel_loop3A_449 = arith.index_cast %select_n3A_242 : i32 to index
        %parallel_loop3A_450 = arith.index_cast %parallel_loop3A_366 : i32 to index
        %parallel_loop3A_451 = arith.constant 112 : index
        %parallel_loop3A_452 = tpu.vector_load %arg7[%parallel_loop3A_449, %parallel_loop3A_450, %parallel_loop3A_451] {strides = array<i32>} : memref<3x112x256xf32, #tpu.memory_space<vmem>>, vector<1x1x16xf32>,
        %parallel_loop3A_453 = vector.shape_cast %parallel_loop3A_452 : vector<1x1x16xf32> to vector<16xf32>
        %parallel_loop3A_454 = vector.shape_cast %parallel_loop3A_448 : vector<16xf32> to vector<1x1x16xf32>
        tpu.vector_store %arg7[%parallel_loop3A_449, %parallel_loop3A_450, %parallel_loop3A_451], %parallel_loop3A_454 {strides = array<i32>} : memref<3x112x256xf32, #tpu.memory_space<vmem>>, vector<1x1x16xf32>,
        %parallel_loop3A_455 = arith.index_cast %parallel_loop3A_366 : i32 to index
        %parallel_loop3A_456 = arith.constant 128 : index
        %parallel_loop3A_457 = tpu.vector_load %arg5[%parallel_loop3A_455, %parallel_loop3A_456] {strides = array<i32>} : memref<112x256xf32, #tpu.memory_space<vmem>>, vector<1x16xf32>,
        %parallel_loop3A_458 = vector.shape_cast %parallel_loop3A_457 : vector<1x16xf32> to vector<16xf32>
        %parallel_loop3A_459 = arith.addf %parallel_loop3A_458, %get3A_294 : vector<16xf32>
        %parallel_loop3A_460 = arith.index_cast %select_n3A_242 : i32 to index
        %parallel_loop3A_461 = arith.index_cast %parallel_loop3A_366 : i32 to index
        %parallel_loop3A_462 = arith.constant 128 : index
        %parallel_loop3A_463 = tpu.vector_load %arg7[%parallel_loop3A_460, %parallel_loop3A_461, %parallel_loop3A_462] {strides = array<i32>} : memref<3x112x256xf32, #tpu.memory_space<vmem>>, vector<1x1x16xf32>,
        %parallel_loop3A_464 = vector.shape_cast %parallel_loop3A_463 : vector<1x1x16xf32> to vector<16xf32>
        %parallel_loop3A_465 = vector.shape_cast %parallel_loop3A_459 : vector<16xf32> to vector<1x1x16xf32>
        tpu.vector_store %arg7[%parallel_loop3A_460, %parallel_loop3A_461, %parallel_loop3A_462], %parallel_loop3A_465 {strides = array<i32>} : memref<3x112x256xf32, #tpu.memory_space<vmem>>, vector<1x1x16xf32>,
        %parallel_loop3A_466 = arith.index_cast %parallel_loop3A_366 : i32 to index
        %parallel_loop3A_467 = arith.constant 144 : index
        %parallel_loop3A_468 = tpu.vector_load %arg5[%parallel_loop3A_466, %parallel_loop3A_467] {strides = array<i32>} : memref<112x256xf32, #tpu.memory_space<vmem>>, vector<1x16xf32>,
        %parallel_loop3A_469 = vector.shape_cast %parallel_loop3A_468 : vector<1x16xf32> to vector<16xf32>
        %parallel_loop3A_470 = arith.addf %parallel_loop3A_469, %get3A_299 : vector<16xf32>
        %parallel_loop3A_471 = arith.index_cast %select_n3A_242 : i32 to index
        %parallel_loop3A_472 = arith.index_cast %parallel_loop3A_366 : i32 to index
        %parallel_loop3A_473 = arith.constant 144 : index
        %parallel_loop3A_474 = tpu.vector_load %arg7[%parallel_loop3A_471, %parallel_loop3A_472, %parallel_loop3A_473] {strides = array<i32>} : memref<3x112x256xf32, #tpu.memory_space<vmem>>, vector<1x1x16xf32>,
        %parallel_loop3A_475 = vector.shape_cast %parallel_loop3A_474 : vector<1x1x16xf32> to vector<16xf32>
        %parallel_loop3A_476 = vector.shape_cast %parallel_loop3A_470 : vector<16xf32> to vector<1x1x16xf32>
        tpu.vector_store %arg7[%parallel_loop3A_471, %parallel_loop3A_472, %parallel_loop3A_473], %parallel_loop3A_476 {strides = array<i32>} : memref<3x112x256xf32, #tpu.memory_space<vmem>>, vector<1x1x16xf32>,
        %parallel_loop3A_477 = arith.index_cast %parallel_loop3A_366 : i32 to index
        %parallel_loop3A_478 = arith.constant 160 : index
        %parallel_loop3A_479 = tpu.vector_load %arg5[%parallel_loop3A_477, %parallel_loop3A_478] {strides = array<i32>} : memref<112x256xf32, #tpu.memory_space<vmem>>, vector<1x16xf32>,
        %parallel_loop3A_480 = vector.shape_cast %parallel_loop3A_479 : vector<1x16xf32> to vector<16xf32>
        %parallel_loop3A_481 = arith.addf %parallel_loop3A_480, %get3A_304 : vector<16xf32>
        %parallel_loop3A_482 = arith.index_cast %select_n3A_242 : i32 to index
        %parallel_loop3A_483 = arith.index_cast %parallel_loop3A_366 : i32 to index
        %parallel_loop3A_484 = arith.constant 160 : index
        %parallel_loop3A_485 = tpu.vector_load %arg7[%parallel_loop3A_482, %parallel_loop3A_483, %parallel_loop3A_484] {strides = array<i32>} : memref<3x112x256xf32, #tpu.memory_space<vmem>>, vector<1x1x16xf32>,
        %parallel_loop3A_486 = vector.shape_cast %parallel_loop3A_485 : vector<1x1x16xf32> to vector<16xf32>
        %parallel_loop3A_487 = vector.shape_cast %parallel_loop3A_481 : vector<16xf32> to vector<1x1x16xf32>
        tpu.vector_store %arg7[%parallel_loop3A_482, %parallel_loop3A_483, %parallel_loop3A_484], %parallel_loop3A_487 {strides = array<i32>} : memref<3x112x256xf32, #tpu.memory_space<vmem>>, vector<1x1x16xf32>,
        %parallel_loop3A_488 = arith.index_cast %parallel_loop3A_366 : i32 to index
        %parallel_loop3A_489 = arith.constant 176 : index
        %parallel_loop3A_490 = tpu.vector_load %arg5[%parallel_loop3A_488, %parallel_loop3A_489] {strides = array<i32>} : memref<112x256xf32, #tpu.memory_space<vmem>>, vector<1x16xf32>,
        %parallel_loop3A_491 = vector.shape_cast %parallel_loop3A_490 : vector<1x16xf32> to vector<16xf32>
        %parallel_loop3A_492 = arith.addf %parallel_loop3A_491, %get3A_309 : vector<16xf32>
        %parallel_loop3A_493 = arith.index_cast %select_n3A_242 : i32 to index
        %parallel_loop3A_494 = arith.index_cast %parallel_loop3A_366 : i32 to index
        %parallel_loop3A_495 = arith.constant 176 : index
        %parallel_loop3A_496 = tpu.vector_load %arg7[%parallel_loop3A_493, %parallel_loop3A_494, %parallel_loop3A_495] {strides = array<i32>} : memref<3x112x256xf32, #tpu.memory_space<vmem>>, vector<1x1x16xf32>,
        %parallel_loop3A_497 = vector.shape_cast %parallel_loop3A_496 : vector<1x1x16xf32> to vector<16xf32>
        %parallel_loop3A_498 = vector.shape_cast %parallel_loop3A_492 : vector<16xf32> to vector<1x1x16xf32>
        tpu.vector_store %arg7[%parallel_loop3A_493, %parallel_loop3A_494, %parallel_loop3A_495], %parallel_loop3A_498 {strides = array<i32>} : memref<3x112x256xf32, #tpu.memory_space<vmem>>, vector<1x1x16xf32>,
        %parallel_loop3A_499 = arith.index_cast %parallel_loop3A_366 : i32 to index
        %parallel_loop3A_500 = arith.constant 192 : index
        %parallel_loop3A_501 = tpu.vector_load %arg5[%parallel_loop3A_499, %parallel_loop3A_500] {strides = array<i32>} : memref<112x256xf32, #tpu.memory_space<vmem>>, vector<1x16xf32>,
        %parallel_loop3A_502 = vector.shape_cast %parallel_loop3A_501 : vector<1x16xf32> to vector<16xf32>
        %parallel_loop3A_503 = arith.addf %parallel_loop3A_502, %get3A_314 : vector<16xf32>
        %parallel_loop3A_504 = arith.index_cast %select_n3A_242 : i32 to index
        %parallel_loop3A_505 = arith.index_cast %parallel_loop3A_366 : i32 to index
        %parallel_loop3A_506 = arith.constant 192 : index
        %parallel_loop3A_507 = tpu.vector_load %arg7[%parallel_loop3A_504, %parallel_loop3A_505, %parallel_loop3A_506] {strides = array<i32>} : memref<3x112x256xf32, #tpu.memory_space<vmem>>, vector<1x1x16xf32>,
        %parallel_loop3A_508 = vector.shape_cast %parallel_loop3A_507 : vector<1x1x16xf32> to vector<16xf32>
        %parallel_loop3A_509 = vector.shape_cast %parallel_loop3A_503 : vector<16xf32> to vector<1x1x16xf32>
        tpu.vector_store %arg7[%parallel_loop3A_504, %parallel_loop3A_505, %parallel_loop3A_506], %parallel_loop3A_509 {strides = array<i32>} : memref<3x112x256xf32, #tpu.memory_space<vmem>>, vector<1x1x16xf32>,
        %parallel_loop3A_510 = arith.index_cast %parallel_loop3A_366 : i32 to index
        %parallel_loop3A_511 = arith.constant 208 : index
        %parallel_loop3A_512 = tpu.vector_load %arg5[%parallel_loop3A_510, %parallel_loop3A_511] {strides = array<i32>} : memref<112x256xf32, #tpu.memory_space<vmem>>, vector<1x16xf32>,
        %parallel_loop3A_513 = vector.shape_cast %parallel_loop3A_512 : vector<1x16xf32> to vector<16xf32>
        %parallel_loop3A_514 = arith.addf %parallel_loop3A_513, %get3A_319 : vector<16xf32>
        %parallel_loop3A_515 = arith.index_cast %select_n3A_242 : i32 to index
        %parallel_loop3A_516 = arith.index_cast %parallel_loop3A_366 : i32 to index
        %parallel_loop3A_517 = arith.constant 208 : index
        %parallel_loop3A_518 = tpu.vector_load %arg7[%parallel_loop3A_515, %parallel_loop3A_516, %parallel_loop3A_517] {strides = array<i32>} : memref<3x112x256xf32, #tpu.memory_space<vmem>>, vector<1x1x16xf32>,
        %parallel_loop3A_519 = vector.shape_cast %parallel_loop3A_518 : vector<1x1x16xf32> to vector<16xf32>
        %parallel_loop3A_520 = vector.shape_cast %parallel_loop3A_514 : vector<16xf32> to vector<1x1x16xf32>
        tpu.vector_store %arg7[%parallel_loop3A_515, %parallel_loop3A_516, %parallel_loop3A_517], %parallel_loop3A_520 {strides = array<i32>} : memref<3x112x256xf32, #tpu.memory_space<vmem>>, vector<1x1x16xf32>,
        %parallel_loop3A_521 = arith.index_cast %parallel_loop3A_366 : i32 to index
        %parallel_loop3A_522 = arith.constant 224 : index
        %parallel_loop3A_523 = tpu.vector_load %arg5[%parallel_loop3A_521, %parallel_loop3A_522] {strides = array<i32>} : memref<112x256xf32, #tpu.memory_space<vmem>>, vector<1x16xf32>,
        %parallel_loop3A_524 = vector.shape_cast %parallel_loop3A_523 : vector<1x16xf32> to vector<16xf32>
        %parallel_loop3A_525 = arith.addf %parallel_loop3A_524, %get3A_324 : vector<16xf32>
        %parallel_loop3A_526 = arith.index_cast %select_n3A_242 : i32 to index
        %parallel_loop3A_527 = arith.index_cast %parallel_loop3A_366 : i32 to index
        %parallel_loop3A_528 = arith.constant 224 : index
        %parallel_loop3A_529 = tpu.vector_load %arg7[%parallel_loop3A_526, %parallel_loop3A_527, %parallel_loop3A_528] {strides = array<i32>} : memref<3x112x256xf32, #tpu.memory_space<vmem>>, vector<1x1x16xf32>,
        %parallel_loop3A_530 = vector.shape_cast %parallel_loop3A_529 : vector<1x1x16xf32> to vector<16xf32>
        %parallel_loop3A_531 = vector.shape_cast %parallel_loop3A_525 : vector<16xf32> to vector<1x1x16xf32>
        tpu.vector_store %arg7[%parallel_loop3A_526, %parallel_loop3A_527, %parallel_loop3A_528], %parallel_loop3A_531 {strides = array<i32>} : memref<3x112x256xf32, #tpu.memory_space<vmem>>, vector<1x1x16xf32>,
        %parallel_loop3A_532 = arith.index_cast %parallel_loop3A_366 : i32 to index
        %parallel_loop3A_533 = arith.constant 240 : index
        %parallel_loop3A_534 = tpu.vector_load %arg5[%parallel_loop3A_532, %parallel_loop3A_533] {strides = array<i32>} : memref<112x256xf32, #tpu.memory_space<vmem>>, vector<1x16xf32>,
        %parallel_loop3A_535 = vector.shape_cast %parallel_loop3A_534 : vector<1x16xf32> to vector<16xf32>
        %parallel_loop3A_536 = arith.addf %parallel_loop3A_535, %get3A_329 : vector<16xf32>
        %parallel_loop3A_537 = arith.index_cast %select_n3A_242 : i32 to index
        %parallel_loop3A_538 = arith.index_cast %parallel_loop3A_366 : i32 to index
        %parallel_loop3A_539 = arith.constant 240 : index
        %parallel_loop3A_540 = tpu.vector_load %arg7[%parallel_loop3A_537, %parallel_loop3A_538, %parallel_loop3A_539] {strides = array<i32>} : memref<3x112x256xf32, #tpu.memory_space<vmem>>, vector<1x1x16xf32>,
        %parallel_loop3A_541 = vector.shape_cast %parallel_loop3A_540 : vector<1x1x16xf32> to vector<16xf32>
        %parallel_loop3A_542 = vector.shape_cast %parallel_loop3A_536 : vector<16xf32> to vector<1x1x16xf32>
        tpu.vector_store %arg7[%parallel_loop3A_537, %parallel_loop3A_538, %parallel_loop3A_539], %parallel_loop3A_542 {strides = array<i32>} : memref<3x112x256xf32, #tpu.memory_space<vmem>>, vector<1x1x16xf32>,
      } {sc.loop_unroll_factor = 8 : i64, sc.parallel_access}
      %dma_start3A_332 = arith.constant 0 : i32
      %dma_start3A_333 = arith.constant 0 : i32
      %dma_start3A_334 = arith.constant 0 : i32
      %dma_start3A_335 = tpu.memref_slice %arg7[%select_n3A_242, %dma_start3A_333, %dma_start3A_334] : memref<3x112x256xf32, #tpu.memory_space<vmem>> -> memref<1x112x256xf32, #tpu.memory_space<vmem>>
      %dma_start3A_336 = tpu.memref_squeeze %dma_start3A_335 : memref<1x112x256xf32, #tpu.memory_space<vmem>> -> memref<112x256xf32, #tpu.memory_space<vmem>>
      %dma_start3A_337 = arith.constant 0 : i32
      %dma_start3A_338 = tpu.memref_slice %arg4[%dma_start3A_332, %add3A_248, %dma_start3A_337] : memref<2x50176x256xf32, #tpu.memory_space<hbm>> -> memref<1x112x256xf32, #tpu.memory_space<hbm>>
      %dma_start3A_339 = tpu.memref_squeeze %dma_start3A_338 : memref<1x112x256xf32, #tpu.memory_space<hbm>> -> memref<112x256xf32, #tpu.memory_space<hbm>>
      %dma_start3A_340 = tpu.memref_slice %arg8[%select_n3A_242] : memref<3x!tpu.dma_semaphore, #tpu.memory_space<semaphore_mem>> -> memref<1x!tpu.dma_semaphore, #tpu.memory_space<semaphore_mem>>
      %dma_start3A_341 = tpu.memref_squeeze %dma_start3A_340 : memref<1x!tpu.dma_semaphore, #tpu.memory_space<semaphore_mem>> -> memref<!tpu.dma_semaphore, #tpu.memory_space<semaphore_mem>>
      %dma_start3A_342 = arith.constant 0 : i32
      %dma_start3A_343 = tpu.memref_slice %arg4[%dma_start3A_332, %add3A_248, %dma_start3A_342] : memref<2x50176x256xf32, #tpu.memory_space<hbm>> -> memref<1x112x256xf32, #tpu.memory_space<hbm>>
      %dma_start3A_344 = tpu.memref_squeeze %dma_start3A_343 : memref<1x112x256xf32, #tpu.memory_space<hbm>> -> memref<112x256xf32, #tpu.memory_space<hbm>>
      %dma_start3A_345 = arith.constant 0 : i32
      %dma_start3A_346 = arith.constant 0 : i32
      %dma_start3A_347 = tpu.memref_slice %arg7[%select_n3A_242, %dma_start3A_345, %dma_start3A_346] : memref<3x112x256xf32, #tpu.memory_space<vmem>> -> memref<1x112x256xf32, #tpu.memory_space<vmem>>
      %dma_start3A_348 = tpu.memref_squeeze %dma_start3A_347 : memref<1x112x256xf32, #tpu.memory_space<vmem>> -> memref<112x256xf32, #tpu.memory_space<vmem>>
      tpu.enqueue_dma source(%dma_start3A_348 : memref<112x256xf32, #tpu.memory_space<vmem>>) target(%dma_start3A_344 : memref<112x256xf32, #tpu.memory_space<hbm>>) target_semaphore(%dma_start3A_341 : memref<!tpu.dma_semaphore, #tpu.memory_space<semaphore_mem>>)
      %dma_start3A_349 = arith.constant 1 : i32
      %dma_start3A_350 = arith.constant 0 : i32
      %dma_start3A_351 = arith.constant 0 : i32
      %dma_start3A_352 = tpu.memref_slice %arg7[%select_n3A_242, %dma_start3A_350, %dma_start3A_351] : memref<3x112x256xf32, #tpu.memory_space<vmem>> -> memref<1x112x256xf32, #tpu.memory_space<vmem>>
      %dma_start3A_353 = tpu.memref_squeeze %dma_start3A_352 : memref<1x112x256xf32, #tpu.memory_space<vmem>> -> memref<112x256xf32, #tpu.memory_space<vmem>>
      %dma_start3A_354 = arith.constant 0 : i32
      %dma_start3A_355 = tpu.memref_slice %arg4[%dma_start3A_349, %add3A_248, %dma_start3A_354] : memref<2x50176x256xf32, #tpu.memory_space<hbm>> -> memref<1x112x256xf32, #tpu.memory_space<hbm>>
      %dma_start3A_356 = tpu.memref_squeeze %dma_start3A_355 : memref<1x112x256xf32, #tpu.memory_space<hbm>> -> memref<112x256xf32, #tpu.memory_space<hbm>>
      %dma_start3A_357 = tpu.memref_slice %arg8[%select_n3A_242] : memref<3x!tpu.dma_semaphore, #tpu.memory_space<semaphore_mem>> -> memref<1x!tpu.dma_semaphore, #tpu.memory_space<semaphore_mem>>
      %dma_start3A_358 = tpu.memref_squeeze %dma_start3A_357 : memref<1x!tpu.dma_semaphore, #tpu.memory_space<semaphore_mem>> -> memref<!tpu.dma_semaphore, #tpu.memory_space<semaphore_mem>>
      %dma_start3A_359 = arith.constant 0 : i32
      %dma_start3A_360 = tpu.memref_slice %arg4[%dma_start3A_349, %add3A_248, %dma_start3A_359] : memref<2x50176x256xf32, #tpu.memory_space<hbm>> -> memref<1x112x256xf32, #tpu.memory_space<hbm>>
      %dma_start3A_361 = tpu.memref_squeeze %dma_start3A_360 : memref<1x112x256xf32, #tpu.memory_space<hbm>> -> memref<112x256xf32, #tpu.memory_space<hbm>>
      %dma_start3A_362 = arith.constant 0 : i32
      %dma_start3A_363 = arith.constant 0 : i32
      %dma_start3A_364 = tpu.memref_slice %arg7[%select_n3A_242, %dma_start3A_362, %dma_start3A_363] : memref<3x112x256xf32, #tpu.memory_space<vmem>> -> memref<1x112x256xf32, #tpu.memory_space<vmem>>
      %dma_start3A_365 = tpu.memref_squeeze %dma_start3A_364 : memref<1x112x256xf32, #tpu.memory_space<vmem>> -> memref<112x256xf32, #tpu.memory_space<vmem>>
      tpu.enqueue_dma source(%dma_start3A_365 : memref<112x256xf32, #tpu.memory_space<vmem>>) target(%dma_start3A_361 : memref<112x256xf32, #tpu.memory_space<hbm>>) target_semaphore(%dma_start3A_358 : memref<!tpu.dma_semaphore, #tpu.memory_space<semaphore_mem>>)
    }
    %scan3A_77 = arith.constant 14 : i32
    %mul3A_78 = arith.constant 224 : i32
    %mul3A_79 = arith.muli %mul3A_32, %mul3A_78 : i32
    %mul3A_80 = arith.constant 112 : i32
    %mul3A_81 = arith.muli %select_n3A_9, %mul3A_80 : i32
    %add3A_82 = arith.addi %mul3A_79, %mul3A_81 : i32
    %dma_wait3A_83 = arith.constant 0 : i32
    %dma_wait3A_84 = arith.constant 0 : i32
    %dma_wait3A_85 = arith.constant 0 : i32
    %dma_wait3A_86 = arith.constant 0 : i32
    %dma_wait3A_87 = arith.constant 0 : i32
    %dma_wait3A_88 = tpu.memref_slice %arg7[%dma_wait3A_83, %dma_wait3A_86, %dma_wait3A_87] : memref<3x112x256xf32, #tpu.memory_space<vmem>> -> memref<1x112x256xf32, #tpu.memory_space<vmem>>
    %dma_wait3A_89 = tpu.memref_squeeze %dma_wait3A_88 : memref<1x112x256xf32, #tpu.memory_space<vmem>> -> memref<112x256xf32, #tpu.memory_space<vmem>>
    %dma_wait3A_90 = arith.constant 0 : i32
    %dma_wait3A_91 = tpu.memref_slice %arg4[%dma_wait3A_84, %add3A_82, %dma_wait3A_90] : memref<2x50176x256xf32, #tpu.memory_space<hbm>> -> memref<1x112x256xf32, #tpu.memory_space<hbm>>
    %dma_wait3A_92 = tpu.memref_squeeze %dma_wait3A_91 : memref<1x112x256xf32, #tpu.memory_space<hbm>> -> memref<112x256xf32, #tpu.memory_space<hbm>>
    %dma_wait3A_93 = tpu.memref_slice %arg8[%dma_wait3A_85] : memref<3x!tpu.dma_semaphore, #tpu.memory_space<semaphore_mem>> -> memref<1x!tpu.dma_semaphore, #tpu.memory_space<semaphore_mem>>
    %dma_wait3A_94 = tpu.memref_squeeze %dma_wait3A_93 : memref<1x!tpu.dma_semaphore, #tpu.memory_space<semaphore_mem>> -> memref<!tpu.dma_semaphore, #tpu.memory_space<semaphore_mem>>
    %dma_wait3A_95 = arith.constant 0 : i32
    %dma_wait3A_96 = tpu.memref_slice %arg4[%dma_wait3A_84, %add3A_82, %dma_wait3A_95] : memref<2x50176x256xf32, #tpu.memory_space<hbm>> -> memref<1x112x256xf32, #tpu.memory_space<hbm>>
    %dma_wait3A_97 = tpu.memref_squeeze %dma_wait3A_96 : memref<1x112x256xf32, #tpu.memory_space<hbm>> -> memref<112x256xf32, #tpu.memory_space<hbm>>
    %dma_wait3A_98 = arith.constant 0 : i32
    %dma_wait3A_99 = arith.constant 0 : i32
    %dma_wait3A_100 = tpu.memref_slice %arg7[%dma_wait3A_83, %dma_wait3A_98, %dma_wait3A_99] : memref<3x112x256xf32, #tpu.memory_space<vmem>> -> memref<1x112x256xf32, #tpu.memory_space<vmem>>
    %dma_wait3A_101 = tpu.memref_squeeze %dma_wait3A_100 : memref<1x112x256xf32, #tpu.memory_space<vmem>> -> memref<112x256xf32, #tpu.memory_space<vmem>>
    tpu.wait_dma2 semaphore(%dma_wait3A_94 : memref<!tpu.dma_semaphore, #tpu.memory_space<semaphore_mem>>) src(%dma_wait3A_101 : memref<112x256xf32, #tpu.memory_space<vmem>>) dst(%dma_wait3A_97 : memref<112x256xf32, #tpu.memory_space<hbm>>)
    %mul3A_102 = arith.constant 224 : i32
    %mul3A_103 = arith.muli %mul3A_32, %mul3A_102 : i32
    %mul3A_104 = arith.constant 112 : i32
    %mul3A_105 = arith.muli %select_n3A_9, %mul3A_104 : i32
    %add3A_106 = arith.addi %mul3A_103, %mul3A_105 : i32
    %dma_wait3A_107 = arith.constant 0 : i32
    %dma_wait3A_108 = arith.constant 1 : i32
    %dma_wait3A_109 = arith.constant 0 : i32
    %dma_wait3A_110 = arith.constant 0 : i32
    %dma_wait3A_111 = arith.constant 0 : i32
    %dma_wait3A_112 = tpu.memref_slice %arg7[%dma_wait3A_107, %dma_wait3A_110, %dma_wait3A_111] : memref<3x112x256xf32, #tpu.memory_space<vmem>> -> memref<1x112x256xf32, #tpu.memory_space<vmem>>
    %dma_wait3A_113 = tpu.memref_squeeze %dma_wait3A_112 : memref<1x112x256xf32, #tpu.memory_space<vmem>> -> memref<112x256xf32, #tpu.memory_space<vmem>>
    %dma_wait3A_114 = arith.constant 0 : i32
    %dma_wait3A_115 = tpu.memref_slice %arg4[%dma_wait3A_108, %add3A_106, %dma_wait3A_114] : memref<2x50176x256xf32, #tpu.memory_space<hbm>> -> memref<1x112x256xf32, #tpu.memory_space<hbm>>
    %dma_wait3A_116 = tpu.memref_squeeze %dma_wait3A_115 : memref<1x112x256xf32, #tpu.memory_space<hbm>> -> memref<112x256xf32, #tpu.memory_space<hbm>>
    %dma_wait3A_117 = tpu.memref_slice %arg8[%dma_wait3A_109] : memref<3x!tpu.dma_semaphore, #tpu.memory_space<semaphore_mem>> -> memref<1x!tpu.dma_semaphore, #tpu.memory_space<semaphore_mem>>
    %dma_wait3A_118 = tpu.memref_squeeze %dma_wait3A_117 : memref<1x!tpu.dma_semaphore, #tpu.memory_space<semaphore_mem>> -> memref<!tpu.dma_semaphore, #tpu.memory_space<semaphore_mem>>
    %dma_wait3A_119 = arith.constant 0 : i32
    %dma_wait3A_120 = tpu.memref_slice %arg4[%dma_wait3A_108, %add3A_106, %dma_wait3A_119] : memref<2x50176x256xf32, #tpu.memory_space<hbm>> -> memref<1x112x256xf32, #tpu.memory_space<hbm>>
    %dma_wait3A_121 = tpu.memref_squeeze %dma_wait3A_120 : memref<1x112x256xf32, #tpu.memory_space<hbm>> -> memref<112x256xf32, #tpu.memory_space<hbm>>
    %dma_wait3A_122 = arith.constant 0 : i32
    %dma_wait3A_123 = arith.constant 0 : i32
    %dma_wait3A_124 = tpu.memref_slice %arg7[%dma_wait3A_107, %dma_wait3A_122, %dma_wait3A_123] : memref<3x112x256xf32, #tpu.memory_space<vmem>> -> memref<1x112x256xf32, #tpu.memory_space<vmem>>
    %dma_wait3A_125 = tpu.memref_squeeze %dma_wait3A_124 : memref<1x112x256xf32, #tpu.memory_space<vmem>> -> memref<112x256xf32, #tpu.memory_space<vmem>>
    tpu.wait_dma2 semaphore(%dma_wait3A_118 : memref<!tpu.dma_semaphore, #tpu.memory_space<semaphore_mem>>) src(%dma_wait3A_125 : memref<112x256xf32, #tpu.memory_space<vmem>>) dst(%dma_wait3A_121 : memref<112x256xf32, #tpu.memory_space<hbm>>)
    %mul3A_126 = arith.constant 224 : i32
    %mul3A_127 = arith.muli %mul3A_32, %mul3A_126 : i32
    %mul3A_128 = arith.constant 112 : i32
    %mul3A_129 = arith.muli %select_n3A_9, %mul3A_128 : i32
    %add3A_130 = arith.addi %mul3A_127, %mul3A_129 : i32
    %dma_wait3A_131 = arith.constant 1 : i32
    %dma_wait3A_132 = arith.constant 0 : i32
    %dma_wait3A_133 = arith.constant 1 : i32
    %dma_wait3A_134 = arith.constant 0 : i32
    %dma_wait3A_135 = arith.constant 0 : i32
    %dma_wait3A_136 = tpu.memref_slice %arg7[%dma_wait3A_131, %dma_wait3A_134, %dma_wait3A_135] : memref<3x112x256xf32, #tpu.memory_space<vmem>> -> memref<1x112x256xf32, #tpu.memory_space<vmem>>
    %dma_wait3A_137 = tpu.memref_squeeze %dma_wait3A_136 : memref<1x112x256xf32, #tpu.memory_space<vmem>> -> memref<112x256xf32, #tpu.memory_space<vmem>>
    %dma_wait3A_138 = arith.constant 0 : i32
    %dma_wait3A_139 = tpu.memref_slice %arg4[%dma_wait3A_132, %add3A_130, %dma_wait3A_138] : memref<2x50176x256xf32, #tpu.memory_space<hbm>> -> memref<1x112x256xf32, #tpu.memory_space<hbm>>
    %dma_wait3A_140 = tpu.memref_squeeze %dma_wait3A_139 : memref<1x112x256xf32, #tpu.memory_space<hbm>> -> memref<112x256xf32, #tpu.memory_space<hbm>>
    %dma_wait3A_141 = tpu.memref_slice %arg8[%dma_wait3A_133] : memref<3x!tpu.dma_semaphore, #tpu.memory_space<semaphore_mem>> -> memref<1x!tpu.dma_semaphore, #tpu.memory_space<semaphore_mem>>
    %dma_wait3A_142 = tpu.memref_squeeze %dma_wait3A_141 : memref<1x!tpu.dma_semaphore, #tpu.memory_space<semaphore_mem>> -> memref<!tpu.dma_semaphore, #tpu.memory_space<semaphore_mem>>
    %dma_wait3A_143 = arith.constant 0 : i32
    %dma_wait3A_144 = tpu.memref_slice %arg4[%dma_wait3A_132, %add3A_130, %dma_wait3A_143] : memref<2x50176x256xf32, #tpu.memory_space<hbm>> -> memref<1x112x256xf32, #tpu.memory_space<hbm>>
    %dma_wait3A_145 = tpu.memref_squeeze %dma_wait3A_144 : memref<1x112x256xf32, #tpu.memory_space<hbm>> -> memref<112x256xf32, #tpu.memory_space<hbm>>
    %dma_wait3A_146 = arith.constant 0 : i32
    %dma_wait3A_147 = arith.constant 0 : i32
    %dma_wait3A_148 = tpu.memref_slice %arg7[%dma_wait3A_131, %dma_wait3A_146, %dma_wait3A_147] : memref<3x112x256xf32, #tpu.memory_space<vmem>> -> memref<1x112x256xf32, #tpu.memory_space<vmem>>
    %dma_wait3A_149 = tpu.memref_squeeze %dma_wait3A_148 : memref<1x112x256xf32, #tpu.memory_space<vmem>> -> memref<112x256xf32, #tpu.memory_space<vmem>>
    tpu.wait_dma2 semaphore(%dma_wait3A_142 : memref<!tpu.dma_semaphore, #tpu.memory_space<semaphore_mem>>) src(%dma_wait3A_149 : memref<112x256xf32, #tpu.memory_space<vmem>>) dst(%dma_wait3A_145 : memref<112x256xf32, #tpu.memory_space<hbm>>)
    %mul3A_150 = arith.constant 224 : i32
    %mul3A_151 = arith.muli %mul3A_32, %mul3A_150 : i32
    %mul3A_152 = arith.constant 112 : i32
    %mul3A_153 = arith.muli %select_n3A_9, %mul3A_152 : i32
    %add3A_154 = arith.addi %mul3A_151, %mul3A_153 : i32
    %dma_wait3A_155 = arith.constant 1 : i32
    %dma_wait3A_156 = arith.constant 1 : i32
    %dma_wait3A_157 = arith.constant 1 : i32
    %dma_wait3A_158 = arith.constant 0 : i32
    %dma_wait3A_159 = arith.constant 0 : i32
    %dma_wait3A_160 = tpu.memref_slice %arg7[%dma_wait3A_155, %dma_wait3A_158, %dma_wait3A_159] : memref<3x112x256xf32, #tpu.memory_space<vmem>> -> memref<1x112x256xf32, #tpu.memory_space<vmem>>
    %dma_wait3A_161 = tpu.memref_squeeze %dma_wait3A_160 : memref<1x112x256xf32, #tpu.memory_space<vmem>> -> memref<112x256xf32, #tpu.memory_space<vmem>>
    %dma_wait3A_162 = arith.constant 0 : i32
    %dma_wait3A_163 = tpu.memref_slice %arg4[%dma_wait3A_156, %add3A_154, %dma_wait3A_162] : memref<2x50176x256xf32, #tpu.memory_space<hbm>> -> memref<1x112x256xf32, #tpu.memory_space<hbm>>
    %dma_wait3A_164 = tpu.memref_squeeze %dma_wait3A_163 : memref<1x112x256xf32, #tpu.memory_space<hbm>> -> memref<112x256xf32, #tpu.memory_space<hbm>>
    %dma_wait3A_165 = tpu.memref_slice %arg8[%dma_wait3A_157] : memref<3x!tpu.dma_semaphore, #tpu.memory_space<semaphore_mem>> -> memref<1x!tpu.dma_semaphore, #tpu.memory_space<semaphore_mem>>
    %dma_wait3A_166 = tpu.memref_squeeze %dma_wait3A_165 : memref<1x!tpu.dma_semaphore, #tpu.memory_space<semaphore_mem>> -> memref<!tpu.dma_semaphore, #tpu.memory_space<semaphore_mem>>
    %dma_wait3A_167 = arith.constant 0 : i32
    %dma_wait3A_168 = tpu.memref_slice %arg4[%dma_wait3A_156, %add3A_154, %dma_wait3A_167] : memref<2x50176x256xf32, #tpu.memory_space<hbm>> -> memref<1x112x256xf32, #tpu.memory_space<hbm>>
    %dma_wait3A_169 = tpu.memref_squeeze %dma_wait3A_168 : memref<1x112x256xf32, #tpu.memory_space<hbm>> -> memref<112x256xf32, #tpu.memory_space<hbm>>
    %dma_wait3A_170 = arith.constant 0 : i32
    %dma_wait3A_171 = arith.constant 0 : i32
    %dma_wait3A_172 = tpu.memref_slice %arg7[%dma_wait3A_155, %dma_wait3A_170, %dma_wait3A_171] : memref<3x112x256xf32, #tpu.memory_space<vmem>> -> memref<1x112x256xf32, #tpu.memory_space<vmem>>
    %dma_wait3A_173 = tpu.memref_squeeze %dma_wait3A_172 : memref<1x112x256xf32, #tpu.memory_space<vmem>> -> memref<112x256xf32, #tpu.memory_space<vmem>>
    tpu.wait_dma2 semaphore(%dma_wait3A_166 : memref<!tpu.dma_semaphore, #tpu.memory_space<semaphore_mem>>) src(%dma_wait3A_173 : memref<112x256xf32, #tpu.memory_space<vmem>>) dst(%dma_wait3A_169 : memref<112x256xf32, #tpu.memory_space<hbm>>)
    %mul3A_174 = arith.constant 224 : i32
    %mul3A_175 = arith.muli %mul3A_32, %mul3A_174 : i32
    %mul3A_176 = arith.constant 112 : i32
    %mul3A_177 = arith.muli %select_n3A_9, %mul3A_176 : i32
    %add3A_178 = arith.addi %mul3A_175, %mul3A_177 : i32
    %dma_wait3A_179 = arith.constant 2 : i32
    %dma_wait3A_180 = arith.constant 0 : i32
    %dma_wait3A_181 = arith.constant 2 : i32
    %dma_wait3A_182 = arith.constant 0 : i32
    %dma_wait3A_183 = arith.constant 0 : i32
    %dma_wait3A_184 = tpu.memref_slice %arg7[%dma_wait3A_179, %dma_wait3A_182, %dma_wait3A_183] : memref<3x112x256xf32, #tpu.memory_space<vmem>> -> memref<1x112x256xf32, #tpu.memory_space<vmem>>
    %dma_wait3A_185 = tpu.memref_squeeze %dma_wait3A_184 : memref<1x112x256xf32, #tpu.memory_space<vmem>> -> memref<112x256xf32, #tpu.memory_space<vmem>>
    %dma_wait3A_186 = arith.constant 0 : i32
    %dma_wait3A_187 = tpu.memref_slice %arg4[%dma_wait3A_180, %add3A_178, %dma_wait3A_186] : memref<2x50176x256xf32, #tpu.memory_space<hbm>> -> memref<1x112x256xf32, #tpu.memory_space<hbm>>
    %dma_wait3A_188 = tpu.memref_squeeze %dma_wait3A_187 : memref<1x112x256xf32, #tpu.memory_space<hbm>> -> memref<112x256xf32, #tpu.memory_space<hbm>>
    %dma_wait3A_189 = tpu.memref_slice %arg8[%dma_wait3A_181] : memref<3x!tpu.dma_semaphore, #tpu.memory_space<semaphore_mem>> -> memref<1x!tpu.dma_semaphore, #tpu.memory_space<semaphore_mem>>
    %dma_wait3A_190 = tpu.memref_squeeze %dma_wait3A_189 : memref<1x!tpu.dma_semaphore, #tpu.memory_space<semaphore_mem>> -> memref<!tpu.dma_semaphore, #tpu.memory_space<semaphore_mem>>
    %dma_wait3A_191 = arith.constant 0 : i32
    %dma_wait3A_192 = tpu.memref_slice %arg4[%dma_wait3A_180, %add3A_178, %dma_wait3A_191] : memref<2x50176x256xf32, #tpu.memory_space<hbm>> -> memref<1x112x256xf32, #tpu.memory_space<hbm>>
    %dma_wait3A_193 = tpu.memref_squeeze %dma_wait3A_192 : memref<1x112x256xf32, #tpu.memory_space<hbm>> -> memref<112x256xf32, #tpu.memory_space<hbm>>
    %dma_wait3A_194 = arith.constant 0 : i32
    %dma_wait3A_195 = arith.constant 0 : i32
    %dma_wait3A_196 = tpu.memref_slice %arg7[%dma_wait3A_179, %dma_wait3A_194, %dma_wait3A_195] : memref<3x112x256xf32, #tpu.memory_space<vmem>> -> memref<1x112x256xf32, #tpu.memory_space<vmem>>
    %dma_wait3A_197 = tpu.memref_squeeze %dma_wait3A_196 : memref<1x112x256xf32, #tpu.memory_space<vmem>> -> memref<112x256xf32, #tpu.memory_space<vmem>>
    tpu.wait_dma2 semaphore(%dma_wait3A_190 : memref<!tpu.dma_semaphore, #tpu.memory_space<semaphore_mem>>) src(%dma_wait3A_197 : memref<112x256xf32, #tpu.memory_space<vmem>>) dst(%dma_wait3A_193 : memref<112x256xf32, #tpu.memory_space<hbm>>)
    %mul3A_198 = arith.constant 224 : i32
    %mul3A_199 = arith.muli %mul3A_32, %mul3A_198 : i32
    %mul3A_200 = arith.constant 112 : i32
    %mul3A_201 = arith.muli %select_n3A_9, %mul3A_200 : i32
    %add3A_202 = arith.addi %mul3A_199, %mul3A_201 : i32
    %dma_wait3A_203 = arith.constant 2 : i32
    %dma_wait3A_204 = arith.constant 1 : i32
    %dma_wait3A_205 = arith.constant 2 : i32
    %dma_wait3A_206 = arith.constant 0 : i32
    %dma_wait3A_207 = arith.constant 0 : i32
    %dma_wait3A_208 = tpu.memref_slice %arg7[%dma_wait3A_203, %dma_wait3A_206, %dma_wait3A_207] : memref<3x112x256xf32, #tpu.memory_space<vmem>> -> memref<1x112x256xf32, #tpu.memory_space<vmem>>
    %dma_wait3A_209 = tpu.memref_squeeze %dma_wait3A_208 : memref<1x112x256xf32, #tpu.memory_space<vmem>> -> memref<112x256xf32, #tpu.memory_space<vmem>>
    %dma_wait3A_210 = arith.constant 0 : i32
    %dma_wait3A_211 = tpu.memref_slice %arg4[%dma_wait3A_204, %add3A_202, %dma_wait3A_210] : memref<2x50176x256xf32, #tpu.memory_space<hbm>> -> memref<1x112x256xf32, #tpu.memory_space<hbm>>
    %dma_wait3A_212 = tpu.memref_squeeze %dma_wait3A_211 : memref<1x112x256xf32, #tpu.memory_space<hbm>> -> memref<112x256xf32, #tpu.memory_space<hbm>>
    %dma_wait3A_213 = tpu.memref_slice %arg8[%dma_wait3A_205] : memref<3x!tpu.dma_semaphore, #tpu.memory_space<semaphore_mem>> -> memref<1x!tpu.dma_semaphore, #tpu.memory_space<semaphore_mem>>
    %dma_wait3A_214 = tpu.memref_squeeze %dma_wait3A_213 : memref<1x!tpu.dma_semaphore, #tpu.memory_space<semaphore_mem>> -> memref<!tpu.dma_semaphore, #tpu.memory_space<semaphore_mem>>
    %dma_wait3A_215 = arith.constant 0 : i32
    %dma_wait3A_216 = tpu.memref_slice %arg4[%dma_wait3A_204, %add3A_202, %dma_wait3A_215] : memref<2x50176x256xf32, #tpu.memory_space<hbm>> -> memref<1x112x256xf32, #tpu.memory_space<hbm>>
    %dma_wait3A_217 = tpu.memref_squeeze %dma_wait3A_216 : memref<1x112x256xf32, #tpu.memory_space<hbm>> -> memref<112x256xf32, #tpu.memory_space<hbm>>
    %dma_wait3A_218 = arith.constant 0 : i32
    %dma_wait3A_219 = arith.constant 0 : i32
    %dma_wait3A_220 = tpu.memref_slice %arg7[%dma_wait3A_203, %dma_wait3A_218, %dma_wait3A_219] : memref<3x112x256xf32, #tpu.memory_space<vmem>> -> memref<1x112x256xf32, #tpu.memory_space<vmem>>
    %dma_wait3A_221 = tpu.memref_squeeze %dma_wait3A_220 : memref<1x112x256xf32, #tpu.memory_space<vmem>> -> memref<112x256xf32, #tpu.memory_space<vmem>>
    tpu.wait_dma2 semaphore(%dma_wait3A_214 : memref<!tpu.dma_semaphore, #tpu.memory_space<semaphore_mem>>) src(%dma_wait3A_221 : memref<112x256xf32, #tpu.memory_space<vmem>>) dst(%dma_wait3A_217 : memref<112x256xf32, #tpu.memory_space<hbm>>)
    return
  }
}

</mosaic_0001>

<sc_bundles>
// kernel: kernel.3.cloned.1.call-start
scs
__scs_entry_jumppad:
0x0: {  	(pc) =	sbr.rel $0x88, $3  }
0x1: {  	(tag) =	ssettag $0x0;
	lr =	simm.s32 $0x1  }
0x2: {  	[smem:$0x3F9F] =	sst lr;
	_ =	strace $0xD0000000  }
0x3: {  	_ = 	snop  }
0x4: {  	_ = 	snop  }
0x5: {  	_ = 	snop  }
0x6: {  	_ = 	snop  }
0x7: {  	_ = 	snop  }
__scs_overlays_trampoline_lowered:
0x8: {  	[smem:$0x3FAE] =	sst s0  }
0x9: {  	[smem:$0x3FAF] =	sst s1  }
0xa: {  	[smem:$0x3FB0] =	sst s2  }
0xb: {  	[smem:$0x3FB1] =	sst s3  }
0xc: {  	[smem:$0x3FB2] =	sst s4  }
0xd: {  	[smem:$0x3FB3] =	sst s5  }
0xe: {  	[smem:$0x3FB4] =	sst s6  }
0xf: {  	[smem:$0x3FB5] =	sst s7  }
0x10: {  	[smem:$0x3FB6] =	sst s8  }
0x11: {  	[smem:$0x3FB7] =	sst s9;
	s0 =	simm.s32 @!p0 $0x0  }
0x12: {  	s1 =	sld [smem:$0x3F9D];
	s0 =	simm.s32 @p0 $0x1  }
0x13: {  	[smem:$0x3FB8] =	sst s0;
	s0 =	simm.s32 @!p1 $0x0  }
0x14: {  	s2 =	sld [smem:$0x3F9C];
	s0 =	simm.s32 @p1 $0x1  }
0x15: {  	[smem:$0x3FB9] =	sst s0;
	s0 =	simm.s32 @!p2 $0x0  }
0x16: {  	s3 =	sld [smem:$0x3FDB];
	s0 =	simm.s32 @p2 $0x1  }
0x17: {  	s4 =	simm.s32 $0x1BF5;
	[smem:$0x3FBB] =	sst s0  }
0x18: {  	s0 =	sld [smem:$0x3F9E];
	_ =	swait.ge [sflag:s4], $0x0  }
0x19: {  	s7 =	sld [smem:$0x3F9F]  }
0x1a: {  	s8 =	sadd.s32 $0xFFFFE003, lr  }
0x1b: {  	s9 =	sadd.s32 $0xFFFFFEF7, lr;
	s5 =	simm.s32 $0xFFFFFFFF;
	p2 =	slt.u32 s8, $0xFFFFF086  }
0x1c: {  	p1 =	slt.u32 s9, $0xF7A;
	s5 =	simm.s32 @!p2 $0x0  }
0x1d: {  	s5 =	simm.s32 @p1 $0x1;
	p0 =	seq.s32 s7, s2  }
0x1e: {  	s7 =	smul.u32 @!p0 $0xF7A, s2;
	p2 =	seq.s32 @!p0 s5, $0x0  }
0x1f: {  	s9 =	smul.u32 $0xF7A, s1;
	s8 =	simm.s32 @!p0 $0x1BF5;
	p2 =	por !p2, p0  }
0x20: {  	[sflag:s8] =	ssyncset.s32 @!p0 $0xFFFFF086;
	s6 =	sadd.s32 @!p0 s3, s7;
	s7 =	simm.s32 @!p0 $0x108  }
0x21: {  	s3 =	sadd.s32 s3, s9;
	s6 =	sadd.s32 @!p0 $0x88, s6;
	s7 =	simm.s32 @p2 $0x1082  }
0x22: {  	[simem:s7], [sflag:s8] =	dma.local @!p0 [hbm:s6], $0xF7A  }
0x23: {  	s9 =	sor.u32 $0xD0000000, s2;
	s6 =	simm.s32 $0x108;
	_ =	swait.ge @!p0 [sflag:s8], $0x0  }
0x24: {  	s3 =	sadd.s32 $0x88, s3;
	s6 =	simm.s32 @!p1 $0x1082;
	[sflag:s4] =	ssyncset.s32 $0xFFFFF086  }
0x25: {  	[simem:s6], [sflag:s4] =	dma.local [hbm:s3], $0xF7A  }
0x26: {  	[smem:$0x3F9F] =	sst s1;
	(tag) =	ssettag s2;
	_ =	strace s9  }
0x27: {  	s1 =	sld [smem:$0x3FAF]  }
0x28: {  	s2 =	sld [smem:$0x3FB0]  }
0x29: {  	s4 =	sld [smem:$0x3FB2]  }
0x2a: {  	p0 =	seq.s32 s5, $0x0;
	s5 =	sld [smem:$0x3FB3]  }
0x2b: {  	s6 =	sld [smem:$0x3FB4]  }
0x2c: {  	s7 =	sld [smem:$0x3FB5]  }
0x2d: {  	s3 =	simm.s32 $0x108;
	s8 =	sld [smem:$0x3FB6]  }
0x2e: {  	s3 =	simm.s32 @!p0 $0x1082;
	s9 =	sld [smem:$0x3FB7]  }
0x2f: {  	lr =	sadd.s32 s0, s3;
	s0 =	sld [smem:$0x3FAE]  }
0x30: {  	s3 =	sld [smem:$0x3FB1]  }
0x31: {  	[smem:$0x3FBA] =	sst s10  }
0x32: {  	s10 =	sld [smem:$0x3FB8];
	_ =	sdelay $0x3  }
0x33: {  	p0 =	seq.s32 s10, $0x1;
	s10 =	sld [smem:$0x3FBA];
	_ =	sdelay $0x3  }
0x34: {  	[smem:$0x3FBA] =	sst s10  }
0x35: {  	s10 =	sld [smem:$0x3FB9];
	_ =	sdelay $0x3  }
0x36: {  	p1 =	seq.s32 s10, $0x1;
	s10 =	sld [smem:$0x3FBA];
	_ =	sdelay $0x3  }
0x37: {  	[smem:$0x3FBA] =	sst s10  }
0x38: {  	s10 =	sld [smem:$0x3FBB]  }
0x39: {  	_ = 	snop;
	(pc) =	sbr.ind lr, $3  }
0x3a: {  	_ = 	snop  }
0x3b: {  	_ = 	snop  }
0x3c: {  	p2 =	seq.s32 s10, $0x1;
	s10 =	sld [smem:$0x3FBA]  }
0x3d: {  	_ =	shalt  }
0x3e: {  	_ =	shalt  }
0x3f: {  	_ =	shalt  }
0x40: {  	_ =	shalt  }
0x41: {  	_ =	shalt  }
0x42: {  	_ =	shalt  }
0x43: {  	_ =	shalt  }
0x44: {  	_ =	shalt  }
0x45: {  	_ =	shalt  }
0x46: {  	_ =	shalt  }
0x47: {  	_ =	shalt  }
0x48: {  	_ =	shalt  }
0x49: {  	_ =	shalt  }
0x4a: {  	_ =	shalt  }
0x4b: {  	_ =	shalt  }
0x4c: {  	_ =	shalt  }
0x4d: {  	_ =	shalt  }
0x4e: {  	_ =	shalt  }
0x4f: {  	_ =	shalt  }
0x50: {  	_ =	shalt  }
0x51: {  	_ =	shalt  }
0x52: {  	_ =	shalt  }
0x53: {  	_ =	shalt  }
0x54: {  	_ =	shalt  }
0x55: {  	_ =	shalt  }
0x56: {  	_ =	shalt  }
0x57: {  	_ =	shalt  }
0x58: {  	_ =	shalt  }
0x59: {  	_ =	shalt  }
0x5a: {  	_ =	shalt  }
0x5b: {  	_ =	shalt  }
0x5c: {  	_ =	shalt  }
0x5d: {  	_ =	shalt  }
0x5e: {  	_ =	shalt  }
0x5f: {  	_ =	shalt  }
0x60: {  	_ =	shalt  }
0x61: {  	_ =	shalt  }
0x62: {  	_ =	shalt  }
0x63: {  	_ =	shalt  }
0x64: {  	_ =	shalt  }
0x65: {  	_ =	shalt  }
0x66: {  	_ =	shalt  }
0x67: {  	_ =	shalt  }
0x68: {  	_ =	shalt  }
0x69: {  	_ =	shalt  }
0x6a: {  	_ =	shalt  }
0x6b: {  	_ =	shalt  }
0x6c: {  	_ =	shalt  }
0x6d: {  	_ =	shalt  }
0x6e: {  	_ =	shalt  }
0x6f: {  	_ =	shalt  }
0x70: {  	_ =	shalt  }
0x71: {  	_ =	shalt  }
0x72: {  	_ =	shalt  }
0x73: {  	_ =	shalt  }
0x74: {  	_ =	shalt  }
0x75: {  	_ =	shalt  }
0x76: {  	_ =	shalt  }
0x77: {  	_ =	shalt  }
0x78: {  	_ =	shalt  }
0x79: {  	_ =	shalt  }
0x7a: {  	_ =	shalt  }
0x7b: {  	_ =	shalt  }
0x7c: {  	_ =	shalt  }
0x7d: {  	_ =	shalt  }
0x7e: {  	_ =	shalt  }
0x7f: {  	_ =	shalt  }
0x80: {  	_ =	shalt  }
0x81: {  	_ =	shalt  }
0x82: {  	_ =	shalt  }
0x83: {  	_ =	shalt  }
0x84: {  	_ =	shalt  }
0x85: {  	_ =	shalt  }
0x86: {  	_ =	shalt  }
0x87: {  	_ =	shalt  }
.Lfunc_end0:
.L_simem_size_0:
called_computation_lowered:
.L_overlay_start_0:
0x88: {  	s2 =	sld [smem:$0x3FD9]  }
0x89: {  	s3 =	sld [smem:$0x3FFE];
	_ =	sdelay $0x1  }
0x8a: {  	s1 =	srdreg.scid  }
0x8b: {  	s0 =	sand.u32 $0x1, s1  }
0x8c: {  	s18 =	sshll.u32 s0, $0xA;
	s2 =	sadd.s32 s3, s2  }
0x8d: {  	s2 =	sadd.s32 s2, s18  }
0x8e: {  	[smem:$0x3FC6] =	sst s2  }
0x8f: {  	_ = 	snop  }
0x90: {  	s2 =	sld [smem:$0x3FC9]  }
0x91: {  	s19 =	sld [smem:$0x3FC8]  }
0x92: {  	s4 =	sld [smem:$0x3FD0];
	(tm) =	ssettm $0x1  }
0x93: {  	s5 =	sld [smem:$0x3FFB];
	_ =	sdelay $0x3  }
0x94: {  	_ =	strace s5  }
0x95: {  	s5 =	sld [smem:$0x3FFC];
	_ =	sdelay $0x3  }
0x96: {  	_ =	strace s5  }
0x97: {  	s5 =	sld [smem:$0x3FFD];
	_ =	sdelay $0x3  }
0x98: {  	_ =	strace s5  }
0x99: {  	_ =	strace $0x8FFFFFFF  }
0x9a: {  	s20 =	sld [smem:$0x3FDB];
	_ =	sdelay $0x1  }
0x9b: {  	s6 =	simm.s32 $_scs_section_size  }
0x9c: {  	s7 =	simm.s32 $_size__tile_overlayer_lowered;
	s8 =	simm.s32 $_tile_overlayer_lowered  }
0x9d: {  	s23 =	simm.s32 $0x1BFF;
	s22 =	sshll.u32 s8, $0x1;
	s5 =	sadd.s32 s6, s20  }
0x9e: {  	s9 =	simm.s32 $0x0;
	s21 =	sshll.u32 s7, $0x1;
	s7 =	sadd.s32 s22, s5  }
0x9f: {  	[timem:s9], [sflag:s23] =	dma.local [hbm:s7], s21  }
0xa0: {  	_ =	swait.ge [sflag:s23], s21  }
0xa1: {  	s6 =	ssub.s32 $0x0, s21;
	[sflag:s23] =	ssyncset.done $0x0  }
0xa2: {  	[sflag:s23] =	ssyncadd.s32 s6;
	_ =	sdelay $0x1  }
0xa3: {  	s24 =	simm.s32 $0x1B8B  }
0xa4: {  	_ =	swait.ge [sflag:s24], $0x1  }
0xa5: {  	[sflag:s24] =	ssyncset.done $0x0  }
0xa6: {  	s25 =	simm.s32 $0x1B8E;
	[sflag:s24] =	ssyncadd.s32 $0xFFFFFFFF  }
0xa7: {  	s26 =	simm.s32 $execute0_lowered;
	[smem:$0x3FD2] =	sst s25  }
0xa8: {  	s6 =	sshll.u32 s26, $0x1;
	_ =	strace $0x80000046;
	[dreg:$0x1] =	wrdreg $0xFFFFFFFF  }
0xa9: {  	s28 =	simm.s32 $_size_execute0_lowered;
	s5 =	sadd.s32 s5, s6;
	[dreg:$0x0] =	wrdreg $0x0  }
0xaa: {  	s6 =	sshll.u32 s28, $0x1;
	[dreg:$0x2] =	wrdreg s5  }
0xab: {  	[dreg:$0x3] =	wrdreg s6  }
0xac: {  	[dreg:$0x4] =	wrdreg $0xC0  }
0xad: {  	_ =	task [dreg:s9], $0x5FFFF  }
0xae: {  	[dreg:$0x1] =	wrdreg $0xFFFFFFFF  }
0xaf: {  	[dreg:$0x0] =	wrdreg $0x60  }
0xb0: {  	[dreg:$0x2] =	wrdreg s2  }
0xb1: {  	[dreg:$0x3] =	wrdreg s19  }
0xb2: {  	[dreg:$0x4] =	wrdreg s4  }
0xb3: {  	[dreg:$0x5] =	wrdreg $0x9  }
0xb4: {  	_ =	task.clear_ibuf [dreg:s9], $0x6FFFF;
	_ =	strace $0x90000046  }
0xb5: {  	s29 =	simm.s32 $0x9;
	_ =	strace $0x80000048  }
0xb6: {  	_ =	swait.ge [sflag:s29], $0x1  }
0xb7: {  	[sflag:s29] =	ssyncadd.s32 $0xFFFFFFFF  }
0xb8: {  	_ =	strace $0x90000048  }
0xb9: {  	_ =	sfence  }
0xba: {  	s30 =	sld [smem:$0x0];
	_ =	sdelay $0x2  }
0xbb: {  	s31 =	sshll.u32 s1, $0xD;
	s1 =	sshrl.u32 s1, $0x2  }
0xbc: {  	s3 =	sand.u32 $0x4000, s31;
	s1 =	sadd.s32 s1, s30  }
0xbd: {  	s0 =	sor.u32 s3, s0;
	s1 =	sshll.u32 s1, $0x11  }
0xbe: {  	s0 =	sor.u32 s1, s0  }
0xbf: {  	s0 =	sadd.s32 $0x8F2B, s0  }
0xc0: {  	[sflag:s0] =	ssyncadd.remote.s32 $0x1  }
0xc1: {  	_ =	sfence.sel $0xFFFF  }
0xc2: {  	[dreg:$0x0] =	wrdreg $0xFFFFFFFF;
	(pc) =	sbr.abs _section_cstart, $3  }
0xc3: {  	[dreg:$0x1] =	wrdreg $0xFFFFFFFF  }
0xc4: {  	_ =	task.clear_ibuf [dreg:s9], $0x2FFFF;
	_ =	strace $0x9FFFFFFF  }
0xc5: {  	(tm) =	ssettm $0x7FFFFFFF  }
tec
execute0_lowered:
.L_overlay_start_1:
0x0: {  	(tag) =	ssettag $0x1  }
0x1: {  	s1 =	srdreg.scid  }
0x2: {  	s0 =	stileid.u32;
	s5 =	sand.u32 $0x1, s1  }
0x3: {  	s1 =	sor.u32 s5, s0  }
0x4: {  	p0 =	seq.s32 s5, $0x1;
	p1 =	seq.s32 s1, $0x0  }
0x5: {  	s9 =	rddreg [dreg:$0x0];
	p1 =	por !p1, !p0  }
0x6: {  	s8 =	rddreg [dreg:$0x1];
	s1 =	simm.s32 $0x1;
	p1 =	por !p1, !p1  }
0x7: {  	s2 =	rddreg [dreg:$0x2];
	s3 =	simm.s32 $0x0;
	s1 =	simm.s32 @!p1 $0x0  }
0x8: {  	s13 =	simm.s32 $0x2;
	s14 =	simm.s32 $0x3;
	s6 =	ssub.s32 s0, s1  }
0x9: {  	[smem:$0x7FF] =	sst s3;
	s5 =	ssub.s32 $0x2, s5;
	s4 =	smul.u32 $0xE, s6  }
0xa: {  	s15 =	simm.s32 $0x0;
	s31 =	sshrl.u32 s5, $0x1;
	s1 =	rddreg [dreg:$0x3]  }
0xb: {  	_ =	strace $0x80000047;
	s7 =	sand.u32 $0x6, s4;
	s10 =	sand.u32 $0xE000, s4  }
0xc: {  	p6 =	slt.s32 s6, $0x1;
	p2 =	sne.s32 s7, $0x0;
	s30 =	sshrl.u32 s10, $0xD  }
0xd: {  	s7 =	simm.s32 $0x1;
	s10 =	ssub.s32 s5, s31;
	p1 =	por !p6, !p2  }
0xe: {  	s5 =	simm.s32 $0x70;
	s6 =	sadd.s32 s30, s4;
	p1 =	por !p1, !p1  }
0xf: {  	s5 =	simm.s32 @!p0 $0x0;
	s6 =	sshra.s32 s6, $0x3;
	s7 =	simm.s32 @!p1 $0x0  }
0x10: {  	s10 =	smax.u32 s10, $0x1;
	s12 =	sshll.u32 s5, $0x5;
	s7 =	ssub.s32 s6, s7  }
0x11: {  	s8 =	sadd.s32 s8, s12;
	s12 =	simm.s32 $0x4;
	s11 =	sshll.u32 s7, $0x8  }
0x12: {  	s6 =	simm.s32 $0x1;
	s7 =	sshll.u32 s7, $0x3;
	s11 =	sand.u32 $0x1FFFFF00, s11  }
0x13: {  	s7 =	ssub.s32 s4, s7;
	s9 =	sadd.s32 s9, s11;
	s11 =	simm.s32 $0x7000  }
.LBB2_1:
0x14: {  	[tilespmem:s3], [sflag:$0x1] =	stream.linear.gather [hbm4b:s8+s3], $0x7000, $0x38;
	[tilespmem:$0x1D800] =	vst v63  }
0x15: {  	_ = 	snop  }
0x16: {  	[tilespmem:s11], [sflag:$0x4] =	stream.linear.gather [hbm4b:s9+s3], $0x1800, $0x38;
	[tilespmem:$0x1D800] =	vst v63  }
0x17: {  	_ =	swait.ge [sflag:s12], $0x1800  }
0x18: {  	[sflag:s12] =	ssyncset.done $0x0  }
0x19: {  	[sflag:s12] =	ssyncadd.s32 $0xFFFFE800  }
0x1a: {  	_ =	swait.ge [sflag:s6], $0x7000  }
0x1b: {  	[sflag:s6] =	ssyncset.done $0x0  }
0x1c: {  	s16 =	simm.s32 $0x0;
	[sflag:s6] =	ssyncadd.s32 $0xFFFF9000  }
.LBB2_2:
0x1d: {  	s17 =	smul.u32 $0xAB, s16;
	_ =	sdelay $0x1  }
0x1e: {  	s17 =	sshrl.u32 s17, $0x9  }
0x1f: {  	s17 =	sand.u32 $0x7F, s17  }
0x20: {  	s17 =	smul.u32 $0x3, s17;
	_ =	sdelay $0x1  }
0x21: {  	s17 =	ssub.s32 s16, s17  }
0x22: {  	p0 =	slt.u32 s16, $0x3;
	s17 =	sand.u32 $0xFF, s17  }
0x23: {  	s18 =	sadd.s32 @!p0 $0x1, s17  }
0x24: {  	_ =	swait.ge @!p0 [sflag:s18], $0x7000  }
0x25: {  	[sflag:s18] =	ssyncset.done @!p0 $0x0  }
0x26: {  	s19 =	sadd.s32 s7, s16;
	[sflag:s18] =	ssyncadd.s32 @!p0 $0xFFFF9000  }
0x27: {  	s20 =	sshll.u32 s19, $0x8;
	s19 =	sshll.u32 s19, $0x7;
	_ =	swait.ge @!p0 [sflag:s18], $0x7000  }
0x28: {  	s20 =	sand.u32 $0xFFFFF800, s20;
	s19 =	sand.u32 $0x380, s19;
	[sflag:s18] =	ssyncset.done @!p0 $0x0  }
0x29: {  	s28 =	sor.u32 s19, s20;
	[sflag:s18] =	ssyncadd.s32 @!p0 $0xFFFF9000  }
0x2a: {  	v0 =	vld [tilespmem:s28+$0x7000]  }
0x2b: {  	v1 =	vld [tilespmem:s28+$0x7010]  }
0x2c: {  	v2 =	vld [tilespmem:s28+$0x7020]  }
0x2d: {  	v4 =	vld [tilespmem:s28+$0x7030]  }
0x2e: {  	v5 =	vld [tilespmem:s28+$0x7040]  }
0x2f: {  	v6 =	vld [tilespmem:s28+$0x7050]  }
0x30: {  	v8 =	vld [tilespmem:s28+$0x7060]  }
0x31: {  	v9 =	vld [tilespmem:s28+$0x7070]  }
0x32: {  	v10 =	vld [tilespmem:s28+$0x7400]  }
0x33: {  	v11 =	vld [tilespmem:s28+$0x7410]  }
0x34: {  	v12 =	vld [tilespmem:s28+$0x7420]  }
0x35: {  	v13 =	vld [tilespmem:s28+$0x7430]  }
0x36: {  	v14 =	vld [tilespmem:s28+$0x7440]  }
0x37: {  	v15 =	vld [tilespmem:s28+$0x7450]  }
0x38: {  	s29 =	smul.u32 $0x1C000, s17;
	v16 =	vld [tilespmem:s28+$0x7460]  }
0x39: {  	s19 =	simm.s32 $0x0;
	v3 =	vld [tilespmem:s28+$0x7470]  }
0x3a: {  	s30 =	sshrl.u32 s29, $0x2;
	v17 =	vld [tilespmem:s19+$0x380]  }
0x3b: {  	s18 =	sadd.s32 $0x8800, s30;
	v18 =	vld [tilespmem:s19+$0x0]  }
0x3c: {  	v7 =	vmov s18;
	v19 =	vld [tilespmem:s19+$0x80]  }
0x3d: {  	v20 =	vld [tilespmem:s19+$0x100]  }
0x3e: {  	v21 =	vld [tilespmem:s19+$0x180]  }
0x3f: {  	v22 =	vld [tilespmem:s19+$0x200];
	v17 =	vadd.f32 v17, v0  }
0x40: {  	v23 =	vld [tilespmem:s19+$0x280];
	v18 =	vadd.f32 v18, v0  }
0x41: {  	v24 =	vld [tilespmem:s19+$0x300];
	v19 =	vadd.f32 v19, v0;
	[tilespmem:v7+s19+$0x380 ss:$0x1] =	vst.idx.msk $0xffff, v17  }
0x42: {  	[tilespmem:v7+s19+$0x0 ss:$0x1] =	vst.idx.msk $0xffff, v18;
	v17 =	vadd.f32 v20, v0;
	v18 =	vld [tilespmem:s19+$0x390]  }
0x43: {  	[tilespmem:v7+s19+$0x80 ss:$0x1] =	vst.idx.msk $0xffff, v19;
	v19 =	vadd.f32 v21, v0;
	v20 =	vld [tilespmem:s19+$0x10]  }
0x44: {  	v21 =	vld [tilespmem:s19+$0x90];
	[tilespmem:v7+s19+$0x100 ss:$0x1] =	vst.idx.msk $0xffff, v17;
	v17 =	vadd.f32 v22, v0  }
0x45: {  	[tilespmem:v7+s19+$0x180 ss:$0x1] =	vst.idx.msk $0xffff, v19;
	v19 =	vadd.f32 v23, v0;
	v22 =	vld [tilespmem:s19+$0x110]  }
0x46: {  	v23 =	vld [tilespmem:s19+$0x190];
	[tilespmem:v7+s19+$0x200 ss:$0x1] =	vst.idx.msk $0xffff, v17;
	v17 =	vadd.f32 v24, v0  }
0x47: {  	[tilespmem:v7+s19+$0x280 ss:$0x1] =	vst.idx.msk $0xffff, v19;
	v44 =	vld [tilespmem:s19+$0x210];
	v18 =	vadd.f32 v18, v1  }
0x48: {  	v19 =	vadd.f32 v20, v1;
	v20 =	vld [tilespmem:s19+$0x290];
	[tilespmem:v7+s19+$0x300 ss:$0x1] =	vst.idx.msk $0xffff, v17  }
0x49: {  	v17 =	vadd.f32 v21, v1;
	v21 =	vld [tilespmem:s19+$0x310];
	[tilespmem:v7+s19+$0x390 ss:$0x1] =	vst.idx.msk $0xffff, v18  }
0x4a: {  	[tilespmem:v7+s19+$0x10 ss:$0x1] =	vst.idx.msk $0xffff, v19;
	v18 =	vadd.f32 v22, v1;
	v19 =	vld [tilespmem:s19+$0x3A0]  }
0x4b: {  	[tilespmem:v7+s19+$0x90 ss:$0x1] =	vst.idx.msk $0xffff, v17;
	v17 =	vadd.f32 v23, v1;
	v22 =	vld [tilespmem:s19+$0x20]  }
0x4c: {  	v23 =	vld [tilespmem:s19+$0xA0];
	[tilespmem:v7+s19+$0x110 ss:$0x1] =	vst.idx.msk $0xffff, v18;
	v18 =	vadd.f32 v44, v1  }
0x4d: {  	[tilespmem:v7+s19+$0x190 ss:$0x1] =	vst.idx.msk $0xffff, v17;
	v45 =	vld [tilespmem:s19+$0x120];
	v17 =	vadd.f32 v20, v1  }
0x4e: {  	v20 =	vld [tilespmem:s19+$0x1A0];
	[tilespmem:v7+s19+$0x210 ss:$0x1] =	vst.idx.msk $0xffff, v18;
	v18 =	vadd.f32 v21, v1  }
0x4f: {  	v21 =	vld [tilespmem:s19+$0x220];
	[tilespmem:v7+s19+$0x290 ss:$0x1] =	vst.idx.msk $0xffff, v17;
	v17 =	vadd.f32 v19, v2  }
0x50: {  	v19 =	vadd.f32 v22, v2;
	v22 =	vld [tilespmem:s19+$0x2A0];
	[tilespmem:v7+s19+$0x310 ss:$0x1] =	vst.idx.msk $0xffff, v18  }
0x51: {  	v18 =	vadd.f32 v23, v2;
	v23 =	vld [tilespmem:s19+$0x320];
	[tilespmem:v7+s19+$0x3A0 ss:$0x1] =	vst.idx.msk $0xffff, v17  }
0x52: {  	[tilespmem:v7+s19+$0x20 ss:$0x1] =	vst.idx.msk $0xffff, v19;
	v17 =	vadd.f32 v45, v2;
	v19 =	vld [tilespmem:s19+$0x3B0]  }
0x53: {  	[tilespmem:v7+s19+$0xA0 ss:$0x1] =	vst.idx.msk $0xffff, v18;
	v18 =	vadd.f32 v20, v2;
	v46 =	vld [tilespmem:s19+$0x30]  }
0x54: {  	v20 =	vld [tilespmem:s19+$0xB0];
	[tilespmem:v7+s19+$0x120 ss:$0x1] =	vst.idx.msk $0xffff, v17;
	v17 =	vadd.f32 v21, v2  }
0x55: {  	[tilespmem:v7+s19+$0x1A0 ss:$0x1] =	vst.idx.msk $0xffff, v18;
	v21 =	vld [tilespmem:s19+$0x130];
	v18 =	vadd.f32 v22, v2  }
0x56: {  	v22 =	vld [tilespmem:s19+$0x1B0];
	[tilespmem:v7+s19+$0x220 ss:$0x1] =	vst.idx.msk $0xffff, v17;
	v17 =	vadd.f32 v23, v2  }
0x57: {  	v23 =	vld [tilespmem:s19+$0x230];
	[tilespmem:v7+s19+$0x2A0 ss:$0x1] =	vst.idx.msk $0xffff, v18;
	v18 =	vadd.f32 v19, v4  }
0x58: {  	v19 =	vadd.f32 v46, v4;
	v47 =	vld [tilespmem:s19+$0x2B0];
	[tilespmem:v7+s19+$0x320 ss:$0x1] =	vst.idx.msk $0xffff, v17  }
0x59: {  	v17 =	vadd.f32 v20, v4;
	v20 =	vld [tilespmem:s19+$0x330];
	[tilespmem:v7+s19+$0x3B0 ss:$0x1] =	vst.idx.msk $0xffff, v18  }
0x5a: {  	[tilespmem:v7+s19+$0x30 ss:$0x1] =	vst.idx.msk $0xffff, v19;
	v18 =	vadd.f32 v21, v4;
	v19 =	vld [tilespmem:s19+$0x3C0]  }
0x5b: {  	[tilespmem:v7+s19+$0xB0 ss:$0x1] =	vst.idx.msk $0xffff, v17;
	v17 =	vadd.f32 v22, v4;
	v21 =	vld [tilespmem:s19+$0x40]  }
0x5c: {  	v22 =	vld [tilespmem:s19+$0xC0];
	[tilespmem:v7+s19+$0x130 ss:$0x1] =	vst.idx.msk $0xffff, v18;
	v18 =	vadd.f32 v23, v4  }
0x5d: {  	[tilespmem:v7+s19+$0x1B0 ss:$0x1] =	vst.idx.msk $0xffff, v17;
	v23 =	vld [tilespmem:s19+$0x140];
	v17 =	vadd.f32 v47, v4  }
0x5e: {  	v48 =	vld [tilespmem:s19+$0x1C0];
	[tilespmem:v7+s19+$0x230 ss:$0x1] =	vst.idx.msk $0xffff, v18;
	v18 =	vadd.f32 v20, v4  }
0x5f: {  	v20 =	vld [tilespmem:s19+$0x240];
	[tilespmem:v7+s19+$0x2B0 ss:$0x1] =	vst.idx.msk $0xffff, v17;
	v17 =	vadd.f32 v19, v5  }
0x60: {  	v19 =	vadd.f32 v21, v5;
	v21 =	vld [tilespmem:s19+$0x2C0];
	[tilespmem:v7+s19+$0x330 ss:$0x1] =	vst.idx.msk $0xffff, v18  }
0x61: {  	v18 =	vadd.f32 v22, v5;
	v22 =	vld [tilespmem:s19+$0x340];
	[tilespmem:v7+s19+$0x3C0 ss:$0x1] =	vst.idx.msk $0xffff, v17  }
0x62: {  	[tilespmem:v7+s19+$0x40 ss:$0x1] =	vst.idx.msk $0xffff, v19;
	v17 =	vadd.f32 v23, v5;
	v19 =	vld [tilespmem:s19+$0x3D0]  }
0x63: {  	[tilespmem:v7+s19+$0xC0 ss:$0x1] =	vst.idx.msk $0xffff, v18;
	v18 =	vadd.f32 v48, v5;
	v23 =	vld [tilespmem:s19+$0x50]  }
0x64: {  	v49 =	vld [tilespmem:s19+$0xD0];
	[tilespmem:v7+s19+$0x140 ss:$0x1] =	vst.idx.msk $0xffff, v17;
	v17 =	vadd.f32 v20, v5  }
0x65: {  	[tilespmem:v7+s19+$0x1C0 ss:$0x1] =	vst.idx.msk $0xffff, v18;
	v20 =	vld [tilespmem:s19+$0x150];
	v18 =	vadd.f32 v21, v5  }
0x66: {  	v21 =	vld [tilespmem:s19+$0x1D0];
	[tilespmem:v7+s19+$0x240 ss:$0x1] =	vst.idx.msk $0xffff, v17;
	v17 =	vadd.f32 v22, v5  }
0x67: {  	v22 =	vld [tilespmem:s19+$0x250];
	[tilespmem:v7+s19+$0x2C0 ss:$0x1] =	vst.idx.msk $0xffff, v18;
	v18 =	vadd.f32 v19, v6  }
0x68: {  	v19 =	vadd.f32 v23, v6;
	v23 =	vld [tilespmem:s19+$0x2D0];
	[tilespmem:v7+s19+$0x340 ss:$0x1] =	vst.idx.msk $0xffff, v17  }
0x69: {  	v17 =	vadd.f32 v49, v6;
	v50 =	vld [tilespmem:s19+$0x350];
	[tilespmem:v7+s19+$0x3D0 ss:$0x1] =	vst.idx.msk $0xffff, v18  }
0x6a: {  	[tilespmem:v7+s19+$0x50 ss:$0x1] =	vst.idx.msk $0xffff, v19;
	v18 =	vadd.f32 v20, v6;
	v19 =	vld [tilespmem:s19+$0x3E0]  }
0x6b: {  	[tilespmem:v7+s19+$0xD0 ss:$0x1] =	vst.idx.msk $0xffff, v17;
	v17 =	vadd.f32 v21, v6;
	v20 =	vld [tilespmem:s19+$0x60]  }
0x6c: {  	v21 =	vld [tilespmem:s19+$0xE0];
	[tilespmem:v7+s19+$0x150 ss:$0x1] =	vst.idx.msk $0xffff, v18;
	v18 =	vadd.f32 v22, v6  }
0x6d: {  	[tilespmem:v7+s19+$0x1D0 ss:$0x1] =	vst.idx.msk $0xffff, v17;
	v22 =	vld [tilespmem:s19+$0x160];
	v17 =	vadd.f32 v23, v6  }
0x6e: {  	v23 =	vld [tilespmem:s19+$0x1E0];
	[tilespmem:v7+s19+$0x250 ss:$0x1] =	vst.idx.msk $0xffff, v18;
	v18 =	vadd.f32 v50, v6  }
0x6f: {  	v51 =	vld [tilespmem:s19+$0x260];
	[tilespmem:v7+s19+$0x2D0 ss:$0x1] =	vst.idx.msk $0xffff, v17;
	v17 =	vadd.f32 v19, v8  }
0x70: {  	v19 =	vadd.f32 v20, v8;
	v20 =	vld [tilespmem:s19+$0x2E0];
	[tilespmem:v7+s19+$0x350 ss:$0x1] =	vst.idx.msk $0xffff, v18  }
0x71: {  	v18 =	vadd.f32 v21, v8;
	v21 =	vld [tilespmem:s19+$0x360];
	[tilespmem:v7+s19+$0x3E0 ss:$0x1] =	vst.idx.msk $0xffff, v17  }
0x72: {  	[tilespmem:v7+s19+$0x60 ss:$0x1] =	vst.idx.msk $0xffff, v19;
	v17 =	vadd.f32 v22, v8;
	v19 =	vld [tilespmem:s19+$0x3F0]  }
0x73: {  	[tilespmem:v7+s19+$0xE0 ss:$0x1] =	vst.idx.msk $0xffff, v18;
	v18 =	vadd.f32 v23, v8;
	v22 =	vld [tilespmem:s19+$0x70]  }
0x74: {  	v23 =	vld [tilespmem:s19+$0xF0];
	[tilespmem:v7+s19+$0x160 ss:$0x1] =	vst.idx.msk $0xffff, v17;
	v17 =	vadd.f32 v51, v8  }
0x75: {  	[tilespmem:v7+s19+$0x1E0 ss:$0x1] =	vst.idx.msk $0xffff, v18;
	v52 =	vld [tilespmem:s19+$0x170];
	v18 =	vadd.f32 v20, v8  }
0x76: {  	v20 =	vld [tilespmem:s19+$0x1F0];
	[tilespmem:v7+s19+$0x260 ss:$0x1] =	vst.idx.msk $0xffff, v17;
	v17 =	vadd.f32 v21, v8  }
0x77: {  	v21 =	vld [tilespmem:s19+$0x270];
	[tilespmem:v7+s19+$0x2E0 ss:$0x1] =	vst.idx.msk $0xffff, v18;
	v18 =	vadd.f32 v19, v9  }
0x78: {  	v19 =	vadd.f32 v22, v9;
	v22 =	vld [tilespmem:s19+$0x2F0];
	[tilespmem:v7+s19+$0x360 ss:$0x1] =	vst.idx.msk $0xffff, v17  }
0x79: {  	v17 =	vadd.f32 v23, v9;
	v23 =	vld [tilespmem:s19+$0x370];
	[tilespmem:v7+s19+$0x3F0 ss:$0x1] =	vst.idx.msk $0xffff, v18  }
0x7a: {  	[tilespmem:v7+s19+$0x70 ss:$0x1] =	vst.idx.msk $0xffff, v19;
	v18 =	vadd.f32 v52, v9;
	v19 =	vld [tilespmem:s19+$0x780]  }
0x7b: {  	[tilespmem:v7+s19+$0xF0 ss:$0x1] =	vst.idx.msk $0xffff, v17;
	v17 =	vadd.f32 v20, v9;
	v53 =	vld [tilespmem:s19+$0x400]  }
0x7c: {  	v20 =	vld [tilespmem:s19+$0x480];
	[tilespmem:v7+s19+$0x170 ss:$0x1] =	vst.idx.msk $0xffff, v18;
	v18 =	vadd.f32 v21, v9  }
0x7d: {  	[tilespmem:v7+s19+$0x1F0 ss:$0x1] =	vst.idx.msk $0xffff, v17;
	v21 =	vld [tilespmem:s19+$0x500];
	v17 =	vadd.f32 v22, v9  }
0x7e: {  	v22 =	vld [tilespmem:s19+$0x580];
	[tilespmem:v7+s19+$0x270 ss:$0x1] =	vst.idx.msk $0xffff, v18;
	v18 =	vadd.f32 v23, v9  }
0x7f: {  	v23 =	vld [tilespmem:s19+$0x600];
	[tilespmem:v7+s19+$0x2F0 ss:$0x1] =	vst.idx.msk $0xffff, v17;
	v17 =	vadd.f32 v19, v10  }
0x80: {  	v19 =	vadd.f32 v53, v10;
	v54 =	vld [tilespmem:s19+$0x680];
	[tilespmem:v7+s19+$0x370 ss:$0x1] =	vst.idx.msk $0xffff, v18  }
0x81: {  	v18 =	vadd.f32 v20, v10;
	v20 =	vld [tilespmem:s19+$0x700];
	[tilespmem:v7+s19+$0x780 ss:$0x1] =	vst.idx.msk $0xffff, v17  }
0x82: {  	[tilespmem:v7+s19+$0x400 ss:$0x1] =	vst.idx.msk $0xffff, v19;
	v17 =	vadd.f32 v21, v10;
	v19 =	vld [tilespmem:s19+$0x790]  }
0x83: {  	[tilespmem:v7+s19+$0x480 ss:$0x1] =	vst.idx.msk $0xffff, v18;
	v18 =	vadd.f32 v22, v10;
	v21 =	vld [tilespmem:s19+$0x410]  }
0x84: {  	v22 =	vld [tilespmem:s19+$0x490];
	[tilespmem:v7+s19+$0x500 ss:$0x1] =	vst.idx.msk $0xffff, v17;
	v17 =	vadd.f32 v23, v10  }
0x85: {  	[tilespmem:v7+s19+$0x580 ss:$0x1] =	vst.idx.msk $0xffff, v18;
	v23 =	vld [tilespmem:s19+$0x510];
	v18 =	vadd.f32 v54, v10  }
0x86: {  	v55 =	vld [tilespmem:s19+$0x590];
	[tilespmem:v7+s19+$0x600 ss:$0x1] =	vst.idx.msk $0xffff, v17;
	v17 =	vadd.f32 v20, v10  }
0x87: {  	v20 =	vld [tilespmem:s19+$0x610];
	[tilespmem:v7+s19+$0x680 ss:$0x1] =	vst.idx.msk $0xffff, v18;
	v18 =	vadd.f32 v19, v11  }
0x88: {  	v19 =	vadd.f32 v21, v11;
	v21 =	vld [tilespmem:s19+$0x690];
	[tilespmem:v7+s19+$0x700 ss:$0x1] =	vst.idx.msk $0xffff, v17  }
0x89: {  	v17 =	vadd.f32 v22, v11;
	v22 =	vld [tilespmem:s19+$0x710];
	[tilespmem:v7+s19+$0x790 ss:$0x1] =	vst.idx.msk $0xffff, v18  }
0x8a: {  	[tilespmem:v7+s19+$0x410 ss:$0x1] =	vst.idx.msk $0xffff, v19;
	v18 =	vadd.f32 v23, v11;
	v19 =	vld [tilespmem:s19+$0x7A0]  }
0x8b: {  	[tilespmem:v7+s19+$0x490 ss:$0x1] =	vst.idx.msk $0xffff, v17;
	v17 =	vadd.f32 v55, v11;
	v23 =	vld [tilespmem:s19+$0x420]  }
0x8c: {  	v56 =	vld [tilespmem:s19+$0x4A0];
	[tilespmem:v7+s19+$0x510 ss:$0x1] =	vst.idx.msk $0xffff, v18;
	v18 =	vadd.f32 v20, v11  }
0x8d: {  	[tilespmem:v7+s19+$0x590 ss:$0x1] =	vst.idx.msk $0xffff, v17;
	v20 =	vld [tilespmem:s19+$0x520];
	v17 =	vadd.f32 v21, v11  }
0x8e: {  	v21 =	vld [tilespmem:s19+$0x5A0];
	[tilespmem:v7+s19+$0x610 ss:$0x1] =	vst.idx.msk $0xffff, v18;
	v18 =	vadd.f32 v22, v11  }
0x8f: {  	v22 =	vld [tilespmem:s19+$0x620];
	[tilespmem:v7+s19+$0x690 ss:$0x1] =	vst.idx.msk $0xffff, v17;
	v17 =	vadd.f32 v19, v12  }
0x90: {  	v19 =	vadd.f32 v23, v12;
	v23 =	vld [tilespmem:s19+$0x6A0];
	[tilespmem:v7+s19+$0x710 ss:$0x1] =	vst.idx.msk $0xffff, v18  }
0x91: {  	v18 =	vadd.f32 v56, v12;
	v57 =	vld [tilespmem:s19+$0x720];
	[tilespmem:v7+s19+$0x7A0 ss:$0x1] =	vst.idx.msk $0xffff, v17  }
0x92: {  	[tilespmem:v7+s19+$0x420 ss:$0x1] =	vst.idx.msk $0xffff, v19;
	v17 =	vadd.f32 v20, v12;
	v19 =	vld [tilespmem:s19+$0x7B0]  }
0x93: {  	[tilespmem:v7+s19+$0x4A0 ss:$0x1] =	vst.idx.msk $0xffff, v18;
	v18 =	vadd.f32 v21, v12;
	v20 =	vld [tilespmem:s19+$0x430]  }
0x94: {  	v21 =	vld [tilespmem:s19+$0x4B0];
	[tilespmem:v7+s19+$0x520 ss:$0x1] =	vst.idx.msk $0xffff, v17;
	v17 =	vadd.f32 v22, v12  }
0x95: {  	[tilespmem:v7+s19+$0x5A0 ss:$0x1] =	vst.idx.msk $0xffff, v18;
	v22 =	vld [tilespmem:s19+$0x530];
	v18 =	vadd.f32 v23, v12  }
0x96: {  	v23 =	vld [tilespmem:s19+$0x5B0];
	[tilespmem:v7+s19+$0x620 ss:$0x1] =	vst.idx.msk $0xffff, v17;
	v17 =	vadd.f32 v57, v12  }
0x97: {  	v58 =	vld [tilespmem:s19+$0x630];
	[tilespmem:v7+s19+$0x6A0 ss:$0x1] =	vst.idx.msk $0xffff, v18;
	v18 =	vadd.f32 v19, v13  }
0x98: {  	v19 =	vadd.f32 v20, v13;
	v20 =	vld [tilespmem:s19+$0x6B0];
	[tilespmem:v7+s19+$0x720 ss:$0x1] =	vst.idx.msk $0xffff, v17  }
0x99: {  	v17 =	vadd.f32 v21, v13;
	v21 =	vld [tilespmem:s19+$0x730];
	[tilespmem:v7+s19+$0x7B0 ss:$0x1] =	vst.idx.msk $0xffff, v18  }
0x9a: {  	[tilespmem:v7+s19+$0x430 ss:$0x1] =	vst.idx.msk $0xffff, v19;
	v18 =	vadd.f32 v22, v13;
	v19 =	vld [tilespmem:s19+$0x7C0]  }
0x9b: {  	[tilespmem:v7+s19+$0x4B0 ss:$0x1] =	vst.idx.msk $0xffff, v17;
	v17 =	vadd.f32 v23, v13;
	v22 =	vld [tilespmem:s19+$0x440]  }
0x9c: {  	v23 =	vld [tilespmem:s19+$0x4C0];
	[tilespmem:v7+s19+$0x530 ss:$0x1] =	vst.idx.msk $0xffff, v18;
	v18 =	vadd.f32 v58, v13  }
0x9d: {  	[tilespmem:v7+s19+$0x5B0 ss:$0x1] =	vst.idx.msk $0xffff, v17;
	v59 =	vld [tilespmem:s19+$0x540];
	v17 =	vadd.f32 v20, v13  }
0x9e: {  	v20 =	vld [tilespmem:s19+$0x5C0];
	[tilespmem:v7+s19+$0x630 ss:$0x1] =	vst.idx.msk $0xffff, v18;
	v18 =	vadd.f32 v21, v13  }
0x9f: {  	v21 =	vld [tilespmem:s19+$0x640];
	[tilespmem:v7+s19+$0x6B0 ss:$0x1] =	vst.idx.msk $0xffff, v17;
	v17 =	vadd.f32 v19, v14  }
0xa0: {  	v19 =	vadd.f32 v22, v14;
	v22 =	vld [tilespmem:s19+$0x6C0];
	[tilespmem:v7+s19+$0x730 ss:$0x1] =	vst.idx.msk $0xffff, v18  }
0xa1: {  	v18 =	vadd.f32 v23, v14;
	v23 =	vld [tilespmem:s19+$0x740];
	[tilespmem:v7+s19+$0x7C0 ss:$0x1] =	vst.idx.msk $0xffff, v17  }
0xa2: {  	[tilespmem:v7+s19+$0x440 ss:$0x1] =	vst.idx.msk $0xffff, v19;
	v17 =	vadd.f32 v59, v14;
	v19 =	vld [tilespmem:s19+$0x7D0]  }
0xa3: {  	[tilespmem:v7+s19+$0x4C0 ss:$0x1] =	vst.idx.msk $0xffff, v18;
	v18 =	vadd.f32 v20, v14;
	v60 =	vld [tilespmem:s19+$0x450]  }
0xa4: {  	v20 =	vld [tilespmem:s19+$0x4D0];
	[tilespmem:v7+s19+$0x540 ss:$0x1] =	vst.idx.msk $0xffff, v17;
	v17 =	vadd.f32 v21, v14  }
0xa5: {  	[tilespmem:v7+s19+$0x5C0 ss:$0x1] =	vst.idx.msk $0xffff, v18;
	v21 =	vld [tilespmem:s19+$0x550];
	v18 =	vadd.f32 v22, v14  }
0xa6: {  	v22 =	vld [tilespmem:s19+$0x5D0];
	[tilespmem:v7+s19+$0x640 ss:$0x1] =	vst.idx.msk $0xffff, v17;
	v17 =	vadd.f32 v23, v14  }
0xa7: {  	v23 =	vld [tilespmem:s19+$0x650];
	[tilespmem:v7+s19+$0x6C0 ss:$0x1] =	vst.idx.msk $0xffff, v18;
	v18 =	vadd.f32 v19, v15  }
0xa8: {  	v19 =	vadd.f32 v60, v15;
	v61 =	vld [tilespmem:s19+$0x6D0];
	[tilespmem:v7+s19+$0x740 ss:$0x1] =	vst.idx.msk $0xffff, v17  }
0xa9: {  	v17 =	vadd.f32 v20, v15;
	v20 =	vld [tilespmem:s19+$0x750];
	[tilespmem:v7+s19+$0x7D0 ss:$0x1] =	vst.idx.msk $0xffff, v18  }
0xaa: {  	[tilespmem:v7+s19+$0x450 ss:$0x1] =	vst.idx.msk $0xffff, v19;
	v18 =	vadd.f32 v21, v15;
	v19 =	vld [tilespmem:s19+$0x7E0]  }
0xab: {  	[tilespmem:v7+s19+$0x4D0 ss:$0x1] =	vst.idx.msk $0xffff, v17;
	v17 =	vadd.f32 v22, v15;
	v21 =	vld [tilespmem:s19+$0x460]  }
0xac: {  	v22 =	vld [tilespmem:s19+$0x4E0];
	[tilespmem:v7+s19+$0x550 ss:$0x1] =	vst.idx.msk $0xffff, v18;
	v18 =	vadd.f32 v23, v15  }
0xad: {  	[tilespmem:v7+s19+$0x5D0 ss:$0x1] =	vst.idx.msk $0xffff, v17;
	v23 =	vld [tilespmem:s19+$0x560];
	v17 =	vadd.f32 v61, v15  }
0xae: {  	v62 =	vld [tilespmem:s19+$0x5E0];
	[tilespmem:v7+s19+$0x650 ss:$0x1] =	vst.idx.msk $0xffff, v18;
	v18 =	vadd.f32 v20, v15  }
0xaf: {  	v20 =	vld [tilespmem:s19+$0x660];
	[tilespmem:v7+s19+$0x6D0 ss:$0x1] =	vst.idx.msk $0xffff, v17;
	v17 =	vadd.f32 v19, v16  }
0xb0: {  	v19 =	vadd.f32 v21, v16;
	v21 =	vld [tilespmem:s19+$0x6E0];
	[tilespmem:v7+s19+$0x750 ss:$0x1] =	vst.idx.msk $0xffff, v18  }
0xb1: {  	v18 =	vadd.f32 v22, v16;
	v22 =	vld [tilespmem:s19+$0x760];
	[tilespmem:v7+s19+$0x7E0 ss:$0x1] =	vst.idx.msk $0xffff, v17  }
0xb2: {  	[tilespmem:v7+s19+$0x460 ss:$0x1] =	vst.idx.msk $0xffff, v19;
	v17 =	vadd.f32 v23, v16;
	v23 =	vld [tilespmem:s19+$0x7F0]  }
0xb3: {  	[tilespmem:v7+s19+$0x4E0 ss:$0x1] =	vst.idx.msk $0xffff, v18;
	v19 =	vadd.f32 v62, v16;
	v25 =	vld [tilespmem:s19+$0x470]  }
0xb4: {  	v18 =	vld [tilespmem:s19+$0x4F0];
	[tilespmem:v7+s19+$0x560 ss:$0x1] =	vst.idx.msk $0xffff, v17;
	v20 =	vadd.f32 v20, v16  }
0xb5: {  	s31 =	sadd.s32 s4, s16;
	[tilespmem:v7+s19+$0x5E0 ss:$0x1] =	vst.idx.msk $0xffff, v19;
	v17 =	vld [tilespmem:s19+$0x570];
	v21 =	vadd.f32 v21, v16  }
0xb6: {  	s20 =	smul.u32 $0xE0, s31;
	v19 =	vld [tilespmem:s19+$0x5F0];
	[tilespmem:v7+s19+$0x660 ss:$0x1] =	vst.idx.msk $0xffff, v20;
	v63 =	vadd.f32 v22, v16  }
0xb7: {  	v20 =	vld [tilespmem:s19+$0x670];
	[tilespmem:v7+s19+$0x6E0 ss:$0x1] =	vst.idx.msk $0xffff, v21;
	v23 =	vadd.f32 v23, v3  }
0xb8: {  	s21 =	simm.s32 $0x8;
	s20 =	sadd.s32 s5, s20;
	v22 =	vadd.f32 v25, v3;
	v21 =	vld [tilespmem:s19+$0x6F0];
	[tilespmem:v7+s19+$0x760 ss:$0x1] =	vst.idx.msk $0xffff, v63  }
.LBB2_3:
0xb9: {  	s22 =	sshll.u32 s21, $0x8;
	p0 =	slt.u32 s21, $0x68;
	v18 =	vadd.f32 v18, v3;
	v24 =	vld [tilespmem:s19+$0x770];
	[tilespmem:v7+s19+$0x7F0 ss:$0x1] =	vst.idx.msk $0xffff, v23  }
0xba: {  	v23 =	vld [tilespmem:s22+$0x380];
	[tilespmem:v7+s19+$0x470 ss:$0x1] =	vst.idx.msk $0xffff, v22;
	v17 =	vadd.f32 v17, v3  }
0xbb: {  	v22 =	vld [tilespmem:s22+$0x0];
	[tilespmem:v7+s19+$0x4F0 ss:$0x1] =	vst.idx.msk $0xffff, v18;
	v18 =	vadd.f32 v19, v3  }
0xbc: {  	v19 =	vld [tilespmem:s22+$0x80];
	[tilespmem:v7+s19+$0x570 ss:$0x1] =	vst.idx.msk $0xffff, v17;
	v17 =	vadd.f32 v20, v3  }
0xbd: {  	v20 =	vld [tilespmem:s22+$0x100];
	[tilespmem:v7+s19+$0x5F0 ss:$0x1] =	vst.idx.msk $0xffff, v18;
	v18 =	vadd.f32 v21, v3  }
0xbe: {  	v21 =	vld [tilespmem:s22+$0x180];
	[tilespmem:v7+s19+$0x670 ss:$0x1] =	vst.idx.msk $0xffff, v17;
	v17 =	vadd.f32 v24, v3  }
0xbf: {  	v24 =	vld [tilespmem:s22+$0x200];
	v23 =	vadd.f32 v23, v0;
	[tilespmem:v7+s19+$0x6F0 ss:$0x1] =	vst.idx.msk $0xffff, v18  }
0xc0: {  	v18 =	vadd.f32 v22, v0;
	v22 =	vld [tilespmem:s22+$0x280];
	[tilespmem:v7+s19+$0x770 ss:$0x1] =	vst.idx.msk $0xffff, v17;
	s19 =	smov.u32 s22  }
0xc1: {  	v17 =	vadd.f32 v19, v0;
	v19 =	vld [tilespmem:s19+$0x300];
	[tilespmem:v7+s19+$0x380 ss:$0x1] =	vst.idx.msk $0xffff, v23  }
0xc2: {  	[tilespmem:v7+s19+$0x0 ss:$0x1] =	vst.idx.msk $0xffff, v18;
	v18 =	vadd.f32 v20, v0;
	v20 =	vld [tilespmem:s19+$0x390]  }
0xc3: {  	v23 =	vld [tilespmem:s19+$0x10];
	[tilespmem:v7+s19+$0x80 ss:$0x1] =	vst.idx.msk $0xffff, v17;
	v17 =	vadd.f32 v21, v0  }
0xc4: {  	v21 =	vld [tilespmem:s19+$0x90];
	[tilespmem:v7+s19+$0x100 ss:$0x1] =	vst.idx.msk $0xffff, v18;
	v18 =	vadd.f32 v24, v0  }
0xc5: {  	v24 =	vld [tilespmem:s19+$0x110];
	[tilespmem:v7+s19+$0x180 ss:$0x1] =	vst.idx.msk $0xffff, v17;
	v17 =	vadd.f32 v22, v0  }
0xc6: {  	v22 =	vld [tilespmem:s19+$0x190];
	[tilespmem:v7+s19+$0x200 ss:$0x1] =	vst.idx.msk $0xffff, v18;
	v18 =	vadd.f32 v19, v0  }
0xc7: {  	v19 =	vld [tilespmem:s19+$0x210];
	[tilespmem:v7+s19+$0x280 ss:$0x1] =	vst.idx.msk $0xffff, v17;
	v17 =	vadd.f32 v20, v1  }
0xc8: {  	v20 =	vadd.f32 v23, v1;
	v23 =	vld [tilespmem:s19+$0x290];
	[tilespmem:v7+s19+$0x300 ss:$0x1] =	vst.idx.msk $0xffff, v18  }
0xc9: {  	v18 =	vadd.f32 v21, v1;
	v21 =	vld [tilespmem:s19+$0x310];
	[tilespmem:v7+s19+$0x390 ss:$0x1] =	vst.idx.msk $0xffff, v17  }
0xca: {  	[tilespmem:v7+s19+$0x10 ss:$0x1] =	vst.idx.msk $0xffff, v20;
	v17 =	vadd.f32 v24, v1;
	v20 =	vld [tilespmem:s19+$0x3A0]  }
0xcb: {  	v24 =	vld [tilespmem:s19+$0x20];
	[tilespmem:v7+s19+$0x90 ss:$0x1] =	vst.idx.msk $0xffff, v18;
	v18 =	vadd.f32 v22, v1  }
0xcc: {  	v22 =	vld [tilespmem:s19+$0xA0];
	[tilespmem:v7+s19+$0x110 ss:$0x1] =	vst.idx.msk $0xffff, v17;
	v17 =	vadd.f32 v19, v1  }
0xcd: {  	v19 =	vld [tilespmem:s19+$0x120];
	[tilespmem:v7+s19+$0x190 ss:$0x1] =	vst.idx.msk $0xffff, v18;
	v18 =	vadd.f32 v23, v1  }
0xce: {  	v23 =	vld [tilespmem:s19+$0x1A0];
	[tilespmem:v7+s19+$0x210 ss:$0x1] =	vst.idx.msk $0xffff, v17;
	v17 =	vadd.f32 v21, v1  }
0xcf: {  	v21 =	vld [tilespmem:s19+$0x220];
	[tilespmem:v7+s19+$0x290 ss:$0x1] =	vst.idx.msk $0xffff, v18;
	v18 =	vadd.f32 v20, v2  }
0xd0: {  	v20 =	vadd.f32 v24, v2;
	v24 =	vld [tilespmem:s19+$0x2A0];
	[tilespmem:v7+s19+$0x310 ss:$0x1] =	vst.idx.msk $0xffff, v17  }
0xd1: {  	v17 =	vadd.f32 v22, v2;
	v22 =	vld [tilespmem:s19+$0x320];
	[tilespmem:v7+s19+$0x3A0 ss:$0x1] =	vst.idx.msk $0xffff, v18  }
0xd2: {  	[tilespmem:v7+s19+$0x20 ss:$0x1] =	vst.idx.msk $0xffff, v20;
	v18 =	vadd.f32 v19, v2;
	v19 =	vld [tilespmem:s19+$0x3B0]  }
0xd3: {  	v20 =	vld [tilespmem:s19+$0x30];
	[tilespmem:v7+s19+$0xA0 ss:$0x1] =	vst.idx.msk $0xffff, v17;
	v17 =	vadd.f32 v23, v2  }
0xd4: {  	v23 =	vld [tilespmem:s19+$0xB0];
	[tilespmem:v7+s19+$0x120 ss:$0x1] =	vst.idx.msk $0xffff, v18;
	v18 =	vadd.f32 v21, v2  }
0xd5: {  	v21 =	vld [tilespmem:s19+$0x130];
	[tilespmem:v7+s19+$0x1A0 ss:$0x1] =	vst.idx.msk $0xffff, v17;
	v17 =	vadd.f32 v24, v2  }
0xd6: {  	v24 =	vld [tilespmem:s19+$0x1B0];
	[tilespmem:v7+s19+$0x220 ss:$0x1] =	vst.idx.msk $0xffff, v18;
	v18 =	vadd.f32 v22, v2  }
0xd7: {  	v22 =	vld [tilespmem:s19+$0x230];
	[tilespmem:v7+s19+$0x2A0 ss:$0x1] =	vst.idx.msk $0xffff, v17;
	v17 =	vadd.f32 v19, v4  }
0xd8: {  	v19 =	vadd.f32 v20, v4;
	v20 =	vld [tilespmem:s19+$0x2B0];
	[tilespmem:v7+s19+$0x320 ss:$0x1] =	vst.idx.msk $0xffff, v18  }
0xd9: {  	v18 =	vadd.f32 v23, v4;
	v23 =	vld [tilespmem:s19+$0x330];
	[tilespmem:v7+s19+$0x3B0 ss:$0x1] =	vst.idx.msk $0xffff, v17  }
0xda: {  	[tilespmem:v7+s19+$0x30 ss:$0x1] =	vst.idx.msk $0xffff, v19;
	v17 =	vadd.f32 v21, v4;
	v19 =	vld [tilespmem:s19+$0x3C0]  }
0xdb: {  	v21 =	vld [tilespmem:s19+$0x40];
	[tilespmem:v7+s19+$0xB0 ss:$0x1] =	vst.idx.msk $0xffff, v18;
	v18 =	vadd.f32 v24, v4  }
0xdc: {  	v24 =	vld [tilespmem:s19+$0xC0];
	[tilespmem:v7+s19+$0x130 ss:$0x1] =	vst.idx.msk $0xffff, v17;
	v17 =	vadd.f32 v22, v4  }
0xdd: {  	v22 =	vld [tilespmem:s19+$0x140];
	[tilespmem:v7+s19+$0x1B0 ss:$0x1] =	vst.idx.msk $0xffff, v18;
	v18 =	vadd.f32 v20, v4  }
0xde: {  	v20 =	vld [tilespmem:s19+$0x1C0];
	[tilespmem:v7+s19+$0x230 ss:$0x1] =	vst.idx.msk $0xffff, v17;
	v17 =	vadd.f32 v23, v4  }
0xdf: {  	v23 =	vld [tilespmem:s19+$0x240];
	[tilespmem:v7+s19+$0x2B0 ss:$0x1] =	vst.idx.msk $0xffff, v18;
	v18 =	vadd.f32 v19, v5  }
0xe0: {  	v19 =	vadd.f32 v21, v5;
	v21 =	vld [tilespmem:s19+$0x2C0];
	[tilespmem:v7+s19+$0x330 ss:$0x1] =	vst.idx.msk $0xffff, v17  }
0xe1: {  	v17 =	vadd.f32 v24, v5;
	v24 =	vld [tilespmem:s19+$0x340];
	[tilespmem:v7+s19+$0x3C0 ss:$0x1] =	vst.idx.msk $0xffff, v18  }
0xe2: {  	[tilespmem:v7+s19+$0x40 ss:$0x1] =	vst.idx.msk $0xffff, v19;
	v18 =	vadd.f32 v22, v5;
	v19 =	vld [tilespmem:s19+$0x3D0]  }
0xe3: {  	v22 =	vld [tilespmem:s19+$0x50];
	[tilespmem:v7+s19+$0xC0 ss:$0x1] =	vst.idx.msk $0xffff, v17;
	v17 =	vadd.f32 v20, v5  }
0xe4: {  	v20 =	vld [tilespmem:s19+$0xD0];
	[tilespmem:v7+s19+$0x140 ss:$0x1] =	vst.idx.msk $0xffff, v18;
	v18 =	vadd.f32 v23, v5  }
0xe5: {  	v23 =	vld [tilespmem:s19+$0x150];
	[tilespmem:v7+s19+$0x1C0 ss:$0x1] =	vst.idx.msk $0xffff, v17;
	v17 =	vadd.f32 v21, v5  }
0xe6: {  	v21 =	vld [tilespmem:s19+$0x1D0];
	[tilespmem:v7+s19+$0x240 ss:$0x1] =	vst.idx.msk $0xffff, v18;
	v18 =	vadd.f32 v24, v5  }
0xe7: {  	v24 =	vld [tilespmem:s19+$0x250];
	[tilespmem:v7+s19+$0x2C0 ss:$0x1] =	vst.idx.msk $0xffff, v17;
	v17 =	vadd.f32 v19, v6  }
0xe8: {  	v19 =	vadd.f32 v22, v6;
	v22 =	vld [tilespmem:s19+$0x2D0];
	[tilespmem:v7+s19+$0x340 ss:$0x1] =	vst.idx.msk $0xffff, v18  }
0xe9: {  	v18 =	vadd.f32 v20, v6;
	v20 =	vld [tilespmem:s19+$0x350];
	[tilespmem:v7+s19+$0x3D0 ss:$0x1] =	vst.idx.msk $0xffff, v17  }
0xea: {  	[tilespmem:v7+s19+$0x50 ss:$0x1] =	vst.idx.msk $0xffff, v19;
	v17 =	vadd.f32 v23, v6;
	v19 =	vld [tilespmem:s19+$0x3E0]  }
0xeb: {  	v23 =	vld [tilespmem:s19+$0x60];
	[tilespmem:v7+s19+$0xD0 ss:$0x1] =	vst.idx.msk $0xffff, v18;
	v18 =	vadd.f32 v21, v6  }
0xec: {  	v21 =	vld [tilespmem:s19+$0xE0];
	[tilespmem:v7+s19+$0x150 ss:$0x1] =	vst.idx.msk $0xffff, v17;
	v17 =	vadd.f32 v24, v6  }
0xed: {  	v24 =	vld [tilespmem:s19+$0x160];
	[tilespmem:v7+s19+$0x1D0 ss:$0x1] =	vst.idx.msk $0xffff, v18;
	v18 =	vadd.f32 v22, v6  }
0xee: {  	v22 =	vld [tilespmem:s19+$0x1E0];
	[tilespmem:v7+s19+$0x250 ss:$0x1] =	vst.idx.msk $0xffff, v17;
	v17 =	vadd.f32 v20, v6  }
0xef: {  	v20 =	vld [tilespmem:s19+$0x260];
	[tilespmem:v7+s19+$0x2D0 ss:$0x1] =	vst.idx.msk $0xffff, v18;
	v18 =	vadd.f32 v19, v8  }
0xf0: {  	v19 =	vadd.f32 v23, v8;
	v23 =	vld [tilespmem:s19+$0x2E0];
	[tilespmem:v7+s19+$0x350 ss:$0x1] =	vst.idx.msk $0xffff, v17  }
0xf1: {  	v17 =	vadd.f32 v21, v8;
	v21 =	vld [tilespmem:s19+$0x360];
	[tilespmem:v7+s19+$0x3E0 ss:$0x1] =	vst.idx.msk $0xffff, v18  }
0xf2: {  	[tilespmem:v7+s19+$0x60 ss:$0x1] =	vst.idx.msk $0xffff, v19;
	v18 =	vadd.f32 v24, v8;
	v19 =	vld [tilespmem:s19+$0x3F0]  }
0xf3: {  	v24 =	vld [tilespmem:s19+$0x70];
	[tilespmem:v7+s19+$0xE0 ss:$0x1] =	vst.idx.msk $0xffff, v17;
	v17 =	vadd.f32 v22, v8  }
0xf4: {  	v22 =	vld [tilespmem:s19+$0xF0];
	[tilespmem:v7+s19+$0x160 ss:$0x1] =	vst.idx.msk $0xffff, v18;
	v18 =	vadd.f32 v20, v8  }
0xf5: {  	v20 =	vld [tilespmem:s19+$0x170];
	[tilespmem:v7+s19+$0x1E0 ss:$0x1] =	vst.idx.msk $0xffff, v17;
	v17 =	vadd.f32 v23, v8  }
0xf6: {  	v23 =	vld [tilespmem:s19+$0x1F0];
	[tilespmem:v7+s19+$0x260 ss:$0x1] =	vst.idx.msk $0xffff, v18;
	v18 =	vadd.f32 v21, v8  }
0xf7: {  	v21 =	vld [tilespmem:s19+$0x270];
	[tilespmem:v7+s19+$0x2E0 ss:$0x1] =	vst.idx.msk $0xffff, v17;
	v17 =	vadd.f32 v19, v9  }
0xf8: {  	v19 =	vadd.f32 v24, v9;
	v24 =	vld [tilespmem:s19+$0x2F0];
	[tilespmem:v7+s19+$0x360 ss:$0x1] =	vst.idx.msk $0xffff, v18  }
0xf9: {  	v18 =	vadd.f32 v22, v9;
	v22 =	vld [tilespmem:s19+$0x370];
	[tilespmem:v7+s19+$0x3F0 ss:$0x1] =	vst.idx.msk $0xffff, v17  }
0xfa: {  	[tilespmem:v7+s19+$0x70 ss:$0x1] =	vst.idx.msk $0xffff, v19;
	v17 =	vadd.f32 v20, v9;
	v19 =	vld [tilespmem:s19+$0x780]  }
0xfb: {  	v20 =	vld [tilespmem:s19+$0x400];
	[tilespmem:v7+s19+$0xF0 ss:$0x1] =	vst.idx.msk $0xffff, v18;
	v18 =	vadd.f32 v23, v9  }
0xfc: {  	v23 =	vld [tilespmem:s19+$0x480];
	[tilespmem:v7+s19+$0x170 ss:$0x1] =	vst.idx.msk $0xffff, v17;
	v17 =	vadd.f32 v21, v9  }
0xfd: {  	v21 =	vld [tilespmem:s19+$0x500];
	[tilespmem:v7+s19+$0x1F0 ss:$0x1] =	vst.idx.msk $0xffff, v18;
	v18 =	vadd.f32 v24, v9  }
0xfe: {  	v24 =	vld [tilespmem:s19+$0x580];
	[tilespmem:v7+s19+$0x270 ss:$0x1] =	vst.idx.msk $0xffff, v17;
	v17 =	vadd.f32 v22, v9  }
0xff: {  	v22 =	vld [tilespmem:s19+$0x600];
	[tilespmem:v7+s19+$0x2F0 ss:$0x1] =	vst.idx.msk $0xffff, v18;
	v18 =	vadd.f32 v19, v10  }
0x100: {  	v19 =	vadd.f32 v20, v10;
	v20 =	vld [tilespmem:s19+$0x680];
	[tilespmem:v7+s19+$0x370 ss:$0x1] =	vst.idx.msk $0xffff, v17  }
0x101: {  	v17 =	vadd.f32 v23, v10;
	v23 =	vld [tilespmem:s19+$0x700];
	[tilespmem:v7+s19+$0x780 ss:$0x1] =	vst.idx.msk $0xffff, v18  }
0x102: {  	[tilespmem:v7+s19+$0x400 ss:$0x1] =	vst.idx.msk $0xffff, v19;
	v18 =	vadd.f32 v21, v10;
	v19 =	vld [tilespmem:s19+$0x790]  }
0x103: {  	v21 =	vld [tilespmem:s19+$0x410];
	[tilespmem:v7+s19+$0x480 ss:$0x1] =	vst.idx.msk $0xffff, v17;
	v17 =	vadd.f32 v24, v10  }
0x104: {  	v24 =	vld [tilespmem:s19+$0x490];
	[tilespmem:v7+s19+$0x500 ss:$0x1] =	vst.idx.msk $0xffff, v18;
	v18 =	vadd.f32 v22, v10  }
0x105: {  	v22 =	vld [tilespmem:s19+$0x510];
	[tilespmem:v7+s19+$0x580 ss:$0x1] =	vst.idx.msk $0xffff, v17;
	v17 =	vadd.f32 v20, v10  }
0x106: {  	v20 =	vld [tilespmem:s19+$0x590];
	[tilespmem:v7+s19+$0x600 ss:$0x1] =	vst.idx.msk $0xffff, v18;
	v18 =	vadd.f32 v23, v10  }
0x107: {  	v23 =	vld [tilespmem:s19+$0x610];
	[tilespmem:v7+s19+$0x680 ss:$0x1] =	vst.idx.msk $0xffff, v17;
	v17 =	vadd.f32 v19, v11  }
0x108: {  	v19 =	vadd.f32 v21, v11;
	v21 =	vld [tilespmem:s19+$0x690];
	[tilespmem:v7+s19+$0x700 ss:$0x1] =	vst.idx.msk $0xffff, v18  }
0x109: {  	v18 =	vadd.f32 v24, v11;
	v24 =	vld [tilespmem:s19+$0x710];
	[tilespmem:v7+s19+$0x790 ss:$0x1] =	vst.idx.msk $0xffff, v17  }
0x10a: {  	[tilespmem:v7+s19+$0x410 ss:$0x1] =	vst.idx.msk $0xffff, v19;
	v17 =	vadd.f32 v22, v11;
	v19 =	vld [tilespmem:s19+$0x7A0]  }
0x10b: {  	v22 =	vld [tilespmem:s19+$0x420];
	[tilespmem:v7+s19+$0x490 ss:$0x1] =	vst.idx.msk $0xffff, v18;
	v18 =	vadd.f32 v20, v11  }
0x10c: {  	v20 =	vld [tilespmem:s19+$0x4A0];
	[tilespmem:v7+s19+$0x510 ss:$0x1] =	vst.idx.msk $0xffff, v17;
	v17 =	vadd.f32 v23, v11  }
0x10d: {  	v23 =	vld [tilespmem:s19+$0x520];
	[tilespmem:v7+s19+$0x590 ss:$0x1] =	vst.idx.msk $0xffff, v18;
	v18 =	vadd.f32 v21, v11  }
0x10e: {  	v21 =	vld [tilespmem:s19+$0x5A0];
	[tilespmem:v7+s19+$0x610 ss:$0x1] =	vst.idx.msk $0xffff, v17;
	v17 =	vadd.f32 v24, v11  }
0x10f: {  	v24 =	vld [tilespmem:s19+$0x620];
	[tilespmem:v7+s19+$0x690 ss:$0x1] =	vst.idx.msk $0xffff, v18;
	v18 =	vadd.f32 v19, v12  }
0x110: {  	v19 =	vadd.f32 v22, v12;
	v22 =	vld [tilespmem:s19+$0x6A0];
	[tilespmem:v7+s19+$0x710 ss:$0x1] =	vst.idx.msk $0xffff, v17  }
0x111: {  	v17 =	vadd.f32 v20, v12;
	v20 =	vld [tilespmem:s19+$0x720];
	[tilespmem:v7+s19+$0x7A0 ss:$0x1] =	vst.idx.msk $0xffff, v18  }
0x112: {  	[tilespmem:v7+s19+$0x420 ss:$0x1] =	vst.idx.msk $0xffff, v19;
	v18 =	vadd.f32 v23, v12;
	v19 =	vld [tilespmem:s19+$0x7B0]  }
0x113: {  	v23 =	vld [tilespmem:s19+$0x430];
	[tilespmem:v7+s19+$0x4A0 ss:$0x1] =	vst.idx.msk $0xffff, v17;
	v17 =	vadd.f32 v21, v12  }
0x114: {  	v21 =	vld [tilespmem:s19+$0x4B0];
	[tilespmem:v7+s19+$0x520 ss:$0x1] =	vst.idx.msk $0xffff, v18;
	v18 =	vadd.f32 v24, v12  }
0x115: {  	v24 =	vld [tilespmem:s19+$0x530];
	[tilespmem:v7+s19+$0x5A0 ss:$0x1] =	vst.idx.msk $0xffff, v17;
	v17 =	vadd.f32 v22, v12  }
0x116: {  	v22 =	vld [tilespmem:s19+$0x5B0];
	[tilespmem:v7+s19+$0x620 ss:$0x1] =	vst.idx.msk $0xffff, v18;
	v18 =	vadd.f32 v20, v12  }
0x117: {  	v20 =	vld [tilespmem:s19+$0x630];
	[tilespmem:v7+s19+$0x6A0 ss:$0x1] =	vst.idx.msk $0xffff, v17;
	v17 =	vadd.f32 v19, v13  }
0x118: {  	v19 =	vadd.f32 v23, v13;
	v23 =	vld [tilespmem:s19+$0x6B0];
	[tilespmem:v7+s19+$0x720 ss:$0x1] =	vst.idx.msk $0xffff, v18  }
0x119: {  	v18 =	vadd.f32 v21, v13;
	v21 =	vld [tilespmem:s19+$0x730];
	[tilespmem:v7+s19+$0x7B0 ss:$0x1] =	vst.idx.msk $0xffff, v17  }
0x11a: {  	[tilespmem:v7+s19+$0x430 ss:$0x1] =	vst.idx.msk $0xffff, v19;
	v17 =	vadd.f32 v24, v13;
	v19 =	vld [tilespmem:s19+$0x7C0]  }
0x11b: {  	v24 =	vld [tilespmem:s19+$0x440];
	[tilespmem:v7+s19+$0x4B0 ss:$0x1] =	vst.idx.msk $0xffff, v18;
	v18 =	vadd.f32 v22, v13  }
0x11c: {  	v22 =	vld [tilespmem:s19+$0x4C0];
	[tilespmem:v7+s19+$0x530 ss:$0x1] =	vst.idx.msk $0xffff, v17;
	v17 =	vadd.f32 v20, v13  }
0x11d: {  	v20 =	vld [tilespmem:s19+$0x540];
	[tilespmem:v7+s19+$0x5B0 ss:$0x1] =	vst.idx.msk $0xffff, v18;
	v18 =	vadd.f32 v23, v13  }
0x11e: {  	v23 =	vld [tilespmem:s19+$0x5C0];
	[tilespmem:v7+s19+$0x630 ss:$0x1] =	vst.idx.msk $0xffff, v17;
	v17 =	vadd.f32 v21, v13  }
0x11f: {  	v21 =	vld [tilespmem:s19+$0x640];
	[tilespmem:v7+s19+$0x6B0 ss:$0x1] =	vst.idx.msk $0xffff, v18;
	v18 =	vadd.f32 v19, v14  }
0x120: {  	v19 =	vadd.f32 v24, v14;
	v24 =	vld [tilespmem:s19+$0x6C0];
	[tilespmem:v7+s19+$0x730 ss:$0x1] =	vst.idx.msk $0xffff, v17  }
0x121: {  	v17 =	vadd.f32 v22, v14;
	v22 =	vld [tilespmem:s19+$0x740];
	[tilespmem:v7+s19+$0x7C0 ss:$0x1] =	vst.idx.msk $0xffff, v18  }
0x122: {  	[tilespmem:v7+s19+$0x440 ss:$0x1] =	vst.idx.msk $0xffff, v19;
	v18 =	vadd.f32 v20, v14;
	v19 =	vld [tilespmem:s19+$0x7D0]  }
0x123: {  	v20 =	vld [tilespmem:s19+$0x450];
	[tilespmem:v7+s19+$0x4C0 ss:$0x1] =	vst.idx.msk $0xffff, v17;
	v17 =	vadd.f32 v23, v14  }
0x124: {  	v23 =	vld [tilespmem:s19+$0x4D0];
	[tilespmem:v7+s19+$0x540 ss:$0x1] =	vst.idx.msk $0xffff, v18;
	v18 =	vadd.f32 v21, v14  }
0x125: {  	v21 =	vld [tilespmem:s19+$0x550];
	[tilespmem:v7+s19+$0x5C0 ss:$0x1] =	vst.idx.msk $0xffff, v17;
	v17 =	vadd.f32 v24, v14  }
0x126: {  	v24 =	vld [tilespmem:s19+$0x5D0];
	[tilespmem:v7+s19+$0x640 ss:$0x1] =	vst.idx.msk $0xffff, v18;
	v18 =	vadd.f32 v22, v14  }
0x127: {  	v22 =	vld [tilespmem:s19+$0x650];
	[tilespmem:v7+s19+$0x6C0 ss:$0x1] =	vst.idx.msk $0xffff, v17;
	v17 =	vadd.f32 v19, v15  }
0x128: {  	v19 =	vadd.f32 v20, v15;
	v20 =	vld [tilespmem:s19+$0x6D0];
	[tilespmem:v7+s19+$0x740 ss:$0x1] =	vst.idx.msk $0xffff, v18  }
0x129: {  	v18 =	vadd.f32 v23, v15;
	v23 =	vld [tilespmem:s19+$0x750];
	[tilespmem:v7+s19+$0x7D0 ss:$0x1] =	vst.idx.msk $0xffff, v17  }
0x12a: {  	[tilespmem:v7+s19+$0x450 ss:$0x1] =	vst.idx.msk $0xffff, v19;
	v17 =	vadd.f32 v21, v15;
	v19 =	vld [tilespmem:s19+$0x7E0]  }
0x12b: {  	v21 =	vld [tilespmem:s19+$0x460];
	[tilespmem:v7+s19+$0x4D0 ss:$0x1] =	vst.idx.msk $0xffff, v18;
	v18 =	vadd.f32 v24, v15  }
0x12c: {  	v24 =	vld [tilespmem:s19+$0x4E0];
	[tilespmem:v7+s19+$0x550 ss:$0x1] =	vst.idx.msk $0xffff, v17;
	v17 =	vadd.f32 v22, v15  }
0x12d: {  	v22 =	vld [tilespmem:s19+$0x560];
	[tilespmem:v7+s19+$0x5D0 ss:$0x1] =	vst.idx.msk $0xffff, v18;
	v18 =	vadd.f32 v20, v15  }
0x12e: {  	v20 =	vld [tilespmem:s19+$0x5E0];
	[tilespmem:v7+s19+$0x650 ss:$0x1] =	vst.idx.msk $0xffff, v17;
	v17 =	vadd.f32 v23, v15  }
0x12f: {  	v23 =	vld [tilespmem:s19+$0x660];
	[tilespmem:v7+s19+$0x6D0 ss:$0x1] =	vst.idx.msk $0xffff, v18;
	v18 =	vadd.f32 v19, v16  }
0x130: {  	v19 =	vadd.f32 v21, v16;
	v21 =	vld [tilespmem:s19+$0x6E0];
	[tilespmem:v7+s19+$0x750 ss:$0x1] =	vst.idx.msk $0xffff, v17  }
0x131: {  	v17 =	vadd.f32 v24, v16;
	v24 =	vld [tilespmem:s19+$0x760];
	[tilespmem:v7+s19+$0x7E0 ss:$0x1] =	vst.idx.msk $0xffff, v18  }
0x132: {  	[tilespmem:v7+s19+$0x460 ss:$0x1] =	vst.idx.msk $0xffff, v19;
	v19 =	vadd.f32 v22, v16;
	v22 =	vld [tilespmem:s19+$0x7F0]  }
0x133: {  	v25 =	vld [tilespmem:s19+$0x470];
	[tilespmem:v7+s19+$0x4E0 ss:$0x1] =	vst.idx.msk $0xffff, v17;
	v20 =	vadd.f32 v20, v16  }
.Ltmp0:
0x134: {  	v18 =	vld [tilespmem:s19+$0x4F0];
	[tilespmem:v7+s19+$0x560 ss:$0x1] =	vst.idx.msk $0xffff, v19;
	v23 =	vadd.f32 v23, v16;
	(pc) =	sbr.rel @p0 .LBB2_3-.Ltmp0, $4  }
0x135: {  	v17 =	vld [tilespmem:s19+$0x570];
	[tilespmem:v7+s19+$0x5E0 ss:$0x1] =	vst.idx.msk $0xffff, v20;
	v21 =	vadd.f32 v21, v16  }
0x136: {  	v19 =	vld [tilespmem:s19+$0x5F0];
	[tilespmem:v7+s19+$0x660 ss:$0x1] =	vst.idx.msk $0xffff, v23;
	v24 =	vadd.f32 v24, v16  }
0x137: {  	v20 =	vld [tilespmem:s19+$0x670];
	[tilespmem:v7+s19+$0x6E0 ss:$0x1] =	vst.idx.msk $0xffff, v21;
	v23 =	vadd.f32 v22, v3  }
0x138: {  	s21 =	sadd.s32 $0x8, s21;
	v22 =	vadd.f32 v25, v3;
	v21 =	vld [tilespmem:s19+$0x6F0];
	[tilespmem:v7+s19+$0x760 ss:$0x1] =	vst.idx.msk $0xffff, v24  }
0x139: {  	_ =	sdelay $0x3  }
0x13a: {  	v0 =	vadd.f32 v18, v3;
	v1 =	vld [tilespmem:s19+$0x770];
	[tilespmem:v7+s19+$0x7F0 ss:$0x1] =	vst.idx.msk $0xffff, v23  }
0x13b: {  	[tilespmem:v7+s19+$0x470 ss:$0x1] =	vst.idx.msk $0xffff, v22;
	v2 =	vadd.f32 v17, v3  }
0x13c: {  	[tilespmem:v7+s19+$0x4F0 ss:$0x1] =	vst.idx.msk $0xffff, v0;
	v61 =	vadd.f32 v19, v3  }
0x13d: {  	[tilespmem:v7+s19+$0x570 ss:$0x1] =	vst.idx.msk $0xffff, v2;
	v62 =	vadd.f32 v20, v3  }
0x13e: {  	s16 =	sadd.s32 $0x1, s16;
	[tilespmem:v7+s19+$0x5F0 ss:$0x1] =	vst.idx.msk $0xffff, v61;
	v63 =	vadd.f32 v21, v3  }
0x13f: {  	s20 =	sshll.u32 s20, $0x5;
	p0 =	sne.s32 s16, $0xE;
	[tilespmem:v7+s19+$0x670 ss:$0x1] =	vst.idx.msk $0xffff, v62;
	v1 =	vadd.f32 v1, v3  }
.Ltmp1:
0x140: {  	s31 =	sand.u32 $0x1FFFFFE0, s20;
	[tilespmem:v7+s19+$0x6F0 ss:$0x1] =	vst.idx.msk $0xffff, v63;
	(pc) =	sbr.rel @p0 .LBB2_2-.Ltmp1, $4  }
0x141: {  	s17 =	sadd.s32 $0x1, s17;
	s30 =	sadd.s32 s2, s20;
	[tilespmem:v7+s19+$0x770 ss:$0x1] =	vst.idx.msk $0xffff, v1;
	s19 =	sadd.s32 s2, s31  }
0x142: {  	[hbm4b:s30+s3] =	stream.linear.scatter [tilespmem:s18], [sflag:s17], $0x7000, $0x38;
	[tilespmem:$0x1D800] =	vst v63  }
0x143: {  	s19 =	sadd.s32 $0x188000, s19  }
0x144: {  	[hbm4b:s19+s3] =	stream.linear.scatter [tilespmem:s18], [sflag:s17], $0x7000, $0x38;
	[tilespmem:$0x1D800] =	vst v63  }
0x145: {  	_ =	swait.ge [sflag:s6], $0x7000  }
0x146: {  	[sflag:s6] =	ssyncset.done $0x0  }
0x147: {  	[sflag:s6] =	ssyncadd.s32 $0xFFFF9000  }
0x148: {  	_ =	swait.ge [sflag:s6], $0x7000  }
0x149: {  	[sflag:s6] =	ssyncset.done $0x0  }
0x14a: {  	[sflag:s6] =	ssyncadd.s32 $0xFFFF9000  }
0x14b: {  	_ =	swait.ge [sflag:s13], $0x7000  }
0x14c: {  	[sflag:s13] =	ssyncset.done $0x0  }
0x14d: {  	[sflag:s13] =	ssyncadd.s32 $0xFFFF9000  }
0x14e: {  	_ =	swait.ge [sflag:s13], $0x7000  }
0x14f: {  	[sflag:s13] =	ssyncset.done $0x0  }
0x150: {  	s15 =	sadd.s32 $0x1, s15;
	[sflag:s13] =	ssyncadd.s32 $0xFFFF9000  }
0x151: {  	p0 =	sne.s32 s15, s10;
	_ =	swait.ge [sflag:s14], $0x7000  }
.Ltmp2:
0x152: {  	[sflag:s14] =	ssyncset.done $0x0;
	(pc) =	sbr.rel @p0 .LBB2_1-.Ltmp2, $4  }
0x153: {  	[sflag:s14] =	ssyncadd.s32 $0xFFFF9000  }
0x154: {  	_ =	swait.ge [sflag:s14], $0x7000  }
0x155: {  	[sflag:s14] =	ssyncset.done $0x0  }
0x156: {  	[sflag:s14] =	ssyncadd.s32 $0xFFFF9000  }
0x157: {  	_ =	sfence.sel $0x180000  }
0x158: {  	[bflag:$0x0] =	sbarrier.arrive $0xFFFF  }
0x159: {  	p0 =	sne.s32 s0, $0x0;
	_ =	strace $0x90000047  }
0x15a: {  	s0 =	sadd.s32 @!p0 $0x100000, s1;
	[bflag:$0x2] =	sbarrier.arrive $0xFFFF  }
0x15b: {  	[sflag:s0] =	ssyncadd.tile.s32 @!p0 $0x1;
	_ =	shalt  }
.Lfunc_end2:
_tile_overlayer_lowered:
.L_overlay_start_2:
0x15c: {  	(tag) =	ssettag $0x2  }
0x15d: {  	s0 =	rddreg [dreg:$0x0];
	s2 =	stileid.u32  }
0x15e: {  	s1 =	rddreg [dreg:$0x1];
	p0 =	sne.s32 s2, $0x0  }
0x15f: {  	s3 =	rddreg [dreg:$0x2];
	[bflag:$0x3] =	sbarrier.arrive $0xFFFF;
	s2 =	simm.s32 @!p0 $0x1C04  }
0x160: {  	[timem:s3], [sflag:s2] =	dma.local @!p0 [hbm:s0], s1  }
0x161: {  	s0 =	simm.s32 @!p0 $0x4  }
0x162: {  	_ =	swait.ge @!p0 [sflag:s0], s1  }
0x163: {  	s1 =	ssub.s32 @!p0 $0x0, s1;
	[sflag:s0] =	ssyncset.done @!p0 $0x0  }
0x164: {  	[sflag:s0] =	ssyncadd.s32 @!p0 s1  }
0x165: {  	[bflag:$0x3] =	sbarrier.arrive $0xFFFF  }
0x166: {  	_ =	shalt  }

</sc_bundles>
